<compile_context>
chip_gen: v7x
topology: tpu7x:2x2x1
jax: 0.10.2.dev20260603
libtpu: 0.0.44.dev20260713+nightly
codegen_flags: <defaults>
</compile_context>

<pallas_src>
import jax
import jax.numpy as jnp
from jax import lax
from jax.experimental import pallas as pl
from jax.experimental.pallas import tpu as pltpu
from jax.experimental.pallas import tpu_sc as plsc

N_NODES = 10000
N_EDGES = 320000
D_FEAT = 128

NC = 2
NS = 16
NW = NC * NS
PER_W = N_EDGES // NW
ROWS = 200
NMEGA = PER_W // ROWS
NBUF = 2
L = 16


def _sc_body(x_hbm, src_hbm, dst_hbm, out_hbm, src_v, dst_v, xu_v, xv_v,
             pacc_v, *sems):
    sems_u = sems[:NBUF]
    sems_v = sems[NBUF:]
    cid = lax.axis_index("c")
    sid = lax.axis_index("s")
    wid = sid * NC + cid

    zero = jnp.zeros((L,), jnp.float32)
    perms = [jnp.arange(L, dtype=jnp.int32) ^ sh for sh in (8, 4, 2, 1)]
    dnums = lax.GatherDimensionNumbers(
        offset_dims=(), collapsed_slice_dims=(0,), start_index_map=(0,))

    def lane_perm(x, p):
        return lax.gather(
            x, p[:, None], dnums, slice_sizes=(1,),
            mode=lax.GatherScatterMode.PROMISE_IN_BOUNDS)

    himask = jnp.full((L,), -65536, jnp.int32)

    def unpack2(w):
        lo = lax.bitcast_convert_type(w << 16, jnp.float32)
        hi = lax.bitcast_convert_type(w & himask, jnp.float32)
        return lo, hi

    def edge_step_for(buf):
        def edge_step(e, carry):
            acc_a, acc_b = carry
            s_acc = zero
            q_acc = zero
            for k in range(4):
                a1, a2 = unpack2(xu_v[buf, e, pl.ds(k * L, L)])
                b1, b2 = unpack2(xv_v[buf, e, pl.ds(k * L, L)])
                s_acc = s_acc + a1 * b1 + a2 * b2
            for k in range(4, 8):
                a1, a2 = unpack2(xu_v[buf, e, pl.ds(k * L, L)])
                b1, b2 = unpack2(xv_v[buf, e, pl.ds(k * L, L)])
                d1 = a1 - b1
                d2 = a2 - b2
                q_acc = q_acc + d1 * d1 + d2 * d2
            q_b = q_acc
            for p in perms:
                q_b = q_b + lane_perm(q_b, p)
            acc_a = acc_a + q_acc
            acc_b = acc_b + s_acc * q_b
            return (acc_a, acc_b)
        return edge_step

    pltpu.sync_copy(src_hbm.at[pl.ds(wid * PER_W, PER_W)], src_v)
    pltpu.sync_copy(dst_hbm.at[pl.ds(wid * PER_W, PER_W)], dst_v)

    def fetch(m, b):
        pltpu.async_copy(x_hbm.at[src_v.at[pl.ds(m * ROWS, ROWS)]],
                         xu_v.at[b], sems_u[b])
        pltpu.async_copy(x_hbm.at[dst_v.at[pl.ds(m * ROWS, ROWS)]],
                         xv_v.at[b], sems_v[b])

    def wait_fetch(b):
        pltpu.make_async_copy(x_hbm.at[src_v.at[pl.ds(0, ROWS)]],
                              xu_v.at[b], sems_u[b]).wait()
        pltpu.make_async_copy(x_hbm.at[dst_v.at[pl.ds(0, ROWS)]],
                              xv_v.at[b], sems_v[b]).wait()

    def chunk_compute(b, carry):
        return plsc.parallel_loop(
            0, ROWS, 1, unroll=2, carry=carry)(edge_step_for(b))

    for m in range(NBUF - 1):
        fetch(m, m)

    def ring_step(mm, carry):
        for b in range(NBUF):
            m = mm * NBUF + b
            wait_fetch(b)
            fetch(m + NBUF - 1, (b + NBUF - 1) % NBUF)
            carry = chunk_compute(b, carry)
        return carry

    NMAIN = (NMEGA - (NBUF - 1)) // NBUF * NBUF
    carry = lax.fori_loop(0, NMAIN // NBUF, ring_step, (zero, zero))
    for m in range(NMAIN, NMEGA):
        b = m % NBUF
        wait_fetch(b)
        if m + NBUF - 1 < NMEGA:
            fetch(m + NBUF - 1, (b + NBUF - 1) % NBUF)
        carry = chunk_compute(b, carry)
    acc_a, acc_b = carry
    pacc_v[...] = acc_a - acc_b
    pltpu.sync_copy(pacc_v, out_hbm.at[wid])


@jax.jit
def _run(x, src, dst):
    mesh = plsc.VectorSubcoreMesh(
        core_axis_name="c", subcore_axis_name="s", num_cores=NC,
        num_subcores=NS)
    partials = pl.kernel(
        _sc_body,
        out_type=jax.ShapeDtypeStruct((NW, L), jnp.float32),
        mesh=mesh,
        scratch_types=[
            pltpu.VMEM((PER_W,), jnp.int32),
            pltpu.VMEM((PER_W,), jnp.int32),
            pltpu.VMEM((NBUF, ROWS, D_FEAT), jnp.int32),
            pltpu.VMEM((NBUF, ROWS, D_FEAT), jnp.int32),
            pltpu.VMEM((L,), jnp.float32),
        ] + [pltpu.SemaphoreType.DMA] * (2 * NBUF),
    )(x, src, dst)
    return jnp.sum(partials) / N_EDGES


def _pack_bf16_pairs(t):
    w = jax.lax.bitcast_convert_type(t, jnp.uint32)
    r = (w + jnp.uint32(0x7FFF) + ((w >> 16) & jnp.uint32(1))) >> 16
    return (r[:, :64] | (r[:, 64:] << 16)).astype(jnp.int32)


def kernel(re_, ir_h, edge_index):
    x = jnp.concatenate(
        [_pack_bf16_pairs(re_), _pack_bf16_pairs(ir_h)], axis=1)
    ei = edge_index.astype(jnp.int32)
    return _run(x, ei[0], ei[1])

# --- scband reference (transcript-rebuilt; emitter-appended) ---
"""Pipeline reference for scband-ir-consistency-loss-19653770346929 (READ-ONLY COPY).

The authoritative reference and input builder live on the scoring server;
editing this copy changes nothing except your own understanding.
"""

import jax, jax.numpy as jnp
import numpy as np

N_NODES = 10000
N_EDGES = 320000
D_FEAT = 128


def setup_inputs(seed: int = 0) -> dict:
    key = jax.random.key(seed)
    k1, k2, k3 = jax.random.split(key, 3)
    re_ = jax.random.normal(k1, (N_NODES, D_FEAT), dtype=jnp.float32)
    ir_h = jax.random.normal(k2, (N_NODES, D_FEAT), dtype=jnp.float32)
    edge_index = jax.random.randint(k3, (2, N_EDGES), 0, N_NODES, dtype=jnp.int64)
    return {"re_": re_, "ir_h": ir_h, "edge_index": edge_index}


def reference(re_, ir_h, edge_index):
    # DGL u_dot_v('prob','prob','agree_e'): per-edge dot of src/dst node features
    src = edge_index[0]
    dst = edge_index[1]
    re_u = jnp.take(re_, src, axis=0)  # gather [E, d]
    re_v = jnp.take(re_, dst, axis=0)  # gather [E, d]
    agree_e = jnp.sum(re_u * re_v, axis=1, keepdims=True)  # [E, 1]
    dis_agree_e = 1.0 - agree_e  # [E, 1]
    # DGL u_sub_v('ir_h','ir_h','diff_e'): per-edge difference of node features
    ir_u = jnp.take(ir_h, src, axis=0)  # [E, d]
    ir_v = jnp.take(ir_h, dst, axis=0)  # [E, d]
    diff_e = ir_u - ir_v  # [E, d]
    lap_loss = dis_agree_e * jnp.sum(jnp.power(diff_e, 2), axis=1, keepdims=True)  # [E, 1]
    return jnp.mean(lap_loss)

if __name__ == "__main__":
    import jax
    _d = setup_inputs()
    print(jax.jit(kernel)(*tuple(_d.values())))

</pallas_src>

<mosaic_0001>
#map = affine_map<(d0, d1) -> (0, 0)>
#map1 = affine_map<(d0, d1) -> (0)>
module attributes {stable_mosaic.version = 14 : i64} {
  func.func @_sc_body(%arg0: i32, %arg1: i32, %arg2: memref<10000x128xi32, #tpu.memory_space<hbm>>, %arg3: memref<320000xi32, #tpu.memory_space<hbm>>, %arg4: memref<320000xi32, #tpu.memory_space<hbm>>, %arg5: memref<32x16xf32, #tpu.memory_space<hbm>>, %arg6: memref<10000xi32, #tpu.memory_space<vmem>>, %arg7: memref<10000xi32, #tpu.memory_space<vmem>>, %arg8: memref<2x200x128xi32, #tpu.memory_space<vmem>>, %arg9: memref<2x200x128xi32, #tpu.memory_space<vmem>>, %arg10: memref<16xf32, #tpu.memory_space<vmem>>, %arg11: memref<!tpu.dma_semaphore, #tpu.memory_space<semaphore_mem>>, %arg12: memref<!tpu.dma_semaphore, #tpu.memory_space<semaphore_mem>>, %arg13: memref<!tpu.dma_semaphore, #tpu.memory_space<semaphore_mem>>, %arg14: memref<!tpu.dma_semaphore, #tpu.memory_space<semaphore_mem>>) attributes {dimension_semantics = [#tpu.dimension_semantics<core_parallel>, #tpu.dimension_semantics<subcore_parallel>], iteration_bounds = array<i64: 2, 16>, scalar_prefetch = 0 : i64, scratch_operands = 9 : i64, tpu.core_type = #tpu.core_type<sc_vector_subcore>, window_params = [{transform_indices = #map}, {transform_indices = #map1}, {transform_indices = #map1}, {transform_indices = #map}]} {
    %mul3A = arith.constant 2 : i32
    %mul3A_0 = arith.muli %arg1, %mul3A : i32
    %add3A = arith.addi %mul3A_0, %arg0 : i32
    %broadcast_in_dim3A = arith.constant 0.000000e+00 : f32
    %broadcast_in_dim3A_1 = vector.broadcast %broadcast_in_dim3A : f32 to vector<16xf32>
    %iota3A = tpu.iota {dimensions = array<i32: 0>} : vector<16xi32>
    %xor3A = arith.constant 8 : i32
    %xor3A_2 = vector.broadcast %xor3A : i32 to vector<16xi32>
    %xor3A_3 = arith.xori %iota3A, %xor3A_2 : vector<16xi32>
    %iota3A_4 = tpu.iota {dimensions = array<i32: 0>} : vector<16xi32>
    %xor3A_5 = arith.constant 4 : i32
    %xor3A_6 = vector.broadcast %xor3A_5 : i32 to vector<16xi32>
    %xor3A_7 = arith.xori %iota3A_4, %xor3A_6 : vector<16xi32>
    %iota3A_8 = tpu.iota {dimensions = array<i32: 0>} : vector<16xi32>
    %xor3A_9 = arith.constant 2 : i32
    %xor3A_10 = vector.broadcast %xor3A_9 : i32 to vector<16xi32>
    %xor3A_11 = arith.xori %iota3A_8, %xor3A_10 : vector<16xi32>
    %iota3A_12 = tpu.iota {dimensions = array<i32: 0>} : vector<16xi32>
    %xor3A_13 = arith.constant 1 : i32
    %xor3A_14 = vector.broadcast %xor3A_13 : i32 to vector<16xi32>
    %xor3A_15 = arith.xori %iota3A_12, %xor3A_14 : vector<16xi32>
    %broadcast_in_dim3A_16 = arith.constant -65536 : i32
    %broadcast_in_dim3A_17 = vector.broadcast %broadcast_in_dim3A_16 : i32 to vector<16xi32>
    %mul3A_18 = arith.constant 10000 : i32
    %mul3A_19 = arith.muli %add3A, %mul3A_18 : i32
    "tpu.region"() ({
      %run_scoped3A = tpu.sem_alloc : memref<!tpu.dma_semaphore, #tpu.memory_space<semaphore_mem>>
      %dma_start3A_115 = tpu.memref_slice %arg3[%mul3A_19] : memref<320000xi32, #tpu.memory_space<hbm>> -> memref<10000xi32, #tpu.memory_space<hbm>>
      %dma_start3A_116 = tpu.memref_slice %arg3[%mul3A_19] : memref<320000xi32, #tpu.memory_space<hbm>> -> memref<10000xi32, #tpu.memory_space<hbm>>
      tpu.enqueue_dma source(%dma_start3A_116 : memref<10000xi32, #tpu.memory_space<hbm>>) target(%arg6 : memref<10000xi32, #tpu.memory_space<vmem>>) target_semaphore(%run_scoped3A : memref<!tpu.dma_semaphore, #tpu.memory_space<semaphore_mem>>)
      %dma_wait3A_117 = tpu.memref_slice %arg3[%mul3A_19] : memref<320000xi32, #tpu.memory_space<hbm>> -> memref<10000xi32, #tpu.memory_space<hbm>>
      %dma_wait3A_118 = tpu.memref_slice %arg3[%mul3A_19] : memref<320000xi32, #tpu.memory_space<hbm>> -> memref<10000xi32, #tpu.memory_space<hbm>>
      tpu.wait_dma2 semaphore(%run_scoped3A : memref<!tpu.dma_semaphore, #tpu.memory_space<semaphore_mem>>) src(%dma_wait3A_118 : memref<10000xi32, #tpu.memory_space<hbm>>) dst(%arg6 : memref<10000xi32, #tpu.memory_space<vmem>>)
      tpu.yield
    }) : () -> ()
    %mul3A_20 = arith.constant 10000 : i32
    %mul3A_21 = arith.muli %add3A, %mul3A_20 : i32
    "tpu.region"() ({
      %run_scoped3A = tpu.sem_alloc : memref<!tpu.dma_semaphore, #tpu.memory_space<semaphore_mem>>
      %dma_start3A_115 = tpu.memref_slice %arg4[%mul3A_21] : memref<320000xi32, #tpu.memory_space<hbm>> -> memref<10000xi32, #tpu.memory_space<hbm>>
      %dma_start3A_116 = tpu.memref_slice %arg4[%mul3A_21] : memref<320000xi32, #tpu.memory_space<hbm>> -> memref<10000xi32, #tpu.memory_space<hbm>>
      tpu.enqueue_dma source(%dma_start3A_116 : memref<10000xi32, #tpu.memory_space<hbm>>) target(%arg7 : memref<10000xi32, #tpu.memory_space<vmem>>) target_semaphore(%run_scoped3A : memref<!tpu.dma_semaphore, #tpu.memory_space<semaphore_mem>>)
      %dma_wait3A_117 = tpu.memref_slice %arg4[%mul3A_21] : memref<320000xi32, #tpu.memory_space<hbm>> -> memref<10000xi32, #tpu.memory_space<hbm>>
      %dma_wait3A_118 = tpu.memref_slice %arg4[%mul3A_21] : memref<320000xi32, #tpu.memory_space<hbm>> -> memref<10000xi32, #tpu.memory_space<hbm>>
      tpu.wait_dma2 semaphore(%run_scoped3A : memref<!tpu.dma_semaphore, #tpu.memory_space<semaphore_mem>>) src(%dma_wait3A_118 : memref<10000xi32, #tpu.memory_space<hbm>>) dst(%arg7 : memref<10000xi32, #tpu.memory_space<vmem>>)
      tpu.yield
    }) : () -> ()
    %dma_start3A = arith.constant 0 : i32
    %dma_start3A_22 = arith.constant 0 : i32
    %dma_start3A_23 = arith.constant 0 : i32
    %dma_start3A_24 = tpu.memref_slice %arg8[%dma_start3A, %dma_start3A_22, %dma_start3A_23] : memref<2x200x128xi32, #tpu.memory_space<vmem>> -> memref<1x200x128xi32, #tpu.memory_space<vmem>>
    %dma_start3A_25 = tpu.memref_squeeze %dma_start3A_24 : memref<1x200x128xi32, #tpu.memory_space<vmem>> -> memref<200x128xi32, #tpu.memory_space<vmem>>
    %dma_start3A_26 = arith.constant 0 : i32
    %dma_start3A_27 = tpu.memref_slice %arg6[%dma_start3A_26] : memref<10000xi32, #tpu.memory_space<vmem>> -> memref<200xi32, #tpu.memory_space<vmem>>
    %dma_start3A_28 = arith.constant 0 : i32
    %dma_start3A_29 = arith.constant 0 : i32
    %dma_start3A_30 = tpu.memref_slice %arg2[%dma_start3A_28, %dma_start3A_29] : memref<10000x128xi32, #tpu.memory_space<hbm>> -> memref<10000x128xi32, #tpu.memory_space<hbm>>
    tpu.enqueue_indirect_dma source(%dma_start3A_30 : memref<10000x128xi32, #tpu.memory_space<hbm>>) target(%dma_start3A_25 : memref<200x128xi32, #tpu.memory_space<vmem>>) offsets(%dma_start3A_27 : memref<200xi32, #tpu.memory_space<vmem>>) semaphore(%arg11 : memref<!tpu.dma_semaphore, #tpu.memory_space<semaphore_mem>>)
    %dma_start3A_31 = arith.constant 0 : i32
    %dma_start3A_32 = arith.constant 0 : i32
    %dma_start3A_33 = arith.constant 0 : i32
    %dma_start3A_34 = tpu.memref_slice %arg9[%dma_start3A_31, %dma_start3A_32, %dma_start3A_33] : memref<2x200x128xi32, #tpu.memory_space<vmem>> -> memref<1x200x128xi32, #tpu.memory_space<vmem>>
    %dma_start3A_35 = tpu.memref_squeeze %dma_start3A_34 : memref<1x200x128xi32, #tpu.memory_space<vmem>> -> memref<200x128xi32, #tpu.memory_space<vmem>>
    %dma_start3A_36 = arith.constant 0 : i32
    %dma_start3A_37 = tpu.memref_slice %arg7[%dma_start3A_36] : memref<10000xi32, #tpu.memory_space<vmem>> -> memref<200xi32, #tpu.memory_space<vmem>>
    %dma_start3A_38 = arith.constant 0 : i32
    %dma_start3A_39 = arith.constant 0 : i32
    %dma_start3A_40 = tpu.memref_slice %arg2[%dma_start3A_38, %dma_start3A_39] : memref<10000x128xi32, #tpu.memory_space<hbm>> -> memref<10000x128xi32, #tpu.memory_space<hbm>>
    tpu.enqueue_indirect_dma source(%dma_start3A_40 : memref<10000x128xi32, #tpu.memory_space<hbm>>) target(%dma_start3A_35 : memref<200x128xi32, #tpu.memory_space<vmem>>) offsets(%dma_start3A_37 : memref<200xi32, #tpu.memory_space<vmem>>) semaphore(%arg13 : memref<!tpu.dma_semaphore, #tpu.memory_space<semaphore_mem>>)
    %scan3A = arith.constant 0 : i32
    %scan3A_41 = arith.constant 24 : i32
    %scan3A_42 = arith.addi %scan3A, %scan3A_41 : i32
    %scan3A_43 = arith.constant 1 : i32
    %scan3A_44:2 = scf.for %scan3A_115 = %scan3A to %scan3A_42 step %scan3A_43 iter_args(%scan3A_116 = %broadcast_in_dim3A_1, %scan3A_117 = %broadcast_in_dim3A_1) -> (vector<16xf32>, vector<16xf32>)  : i32 {
      %mul3A_118 = arith.constant 2 : i32
      %mul3A_119 = arith.muli %scan3A_115, %mul3A_118 : i32
      %add3A_120 = arith.constant 0 : i32
      %add3A_121 = arith.addi %mul3A_119, %add3A_120 : i32
      %dma_wait3A_122 = arith.constant 0 : i32
      %dma_wait3A_123 = arith.constant 0 : i32
      %dma_wait3A_124 = arith.constant 0 : i32
      %dma_wait3A_125 = tpu.memref_slice %arg8[%dma_wait3A_122, %dma_wait3A_123, %dma_wait3A_124] : memref<2x200x128xi32, #tpu.memory_space<vmem>> -> memref<1x200x128xi32, #tpu.memory_space<vmem>>
      %dma_wait3A_126 = tpu.memref_squeeze %dma_wait3A_125 : memref<1x200x128xi32, #tpu.memory_space<vmem>> -> memref<200x128xi32, #tpu.memory_space<vmem>>
      %dma_wait3A_127 = arith.constant 0 : i32
      %dma_wait3A_128 = tpu.memref_slice %arg6[%dma_wait3A_127] : memref<10000xi32, #tpu.memory_space<vmem>> -> memref<200xi32, #tpu.memory_space<vmem>>
      %dma_wait3A_129 = arith.constant 0 : i32
      %dma_wait3A_130 = arith.constant 0 : i32
      %dma_wait3A_131 = tpu.memref_slice %arg2[%dma_wait3A_129, %dma_wait3A_130] : memref<10000x128xi32, #tpu.memory_space<hbm>> -> memref<10000x128xi32, #tpu.memory_space<hbm>>
      tpu.wait_indirect_dma semaphore(%arg11 : memref<!tpu.dma_semaphore, #tpu.memory_space<semaphore_mem>>) src(%dma_wait3A_131 : memref<10000x128xi32, #tpu.memory_space<hbm>>) dst(%dma_wait3A_126 : memref<200x128xi32, #tpu.memory_space<vmem>>)
      %dma_wait3A_132 = arith.constant 0 : i32
      %dma_wait3A_133 = arith.constant 0 : i32
      %dma_wait3A_134 = arith.constant 0 : i32
      %dma_wait3A_135 = tpu.memref_slice %arg9[%dma_wait3A_132, %dma_wait3A_133, %dma_wait3A_134] : memref<2x200x128xi32, #tpu.memory_space<vmem>> -> memref<1x200x128xi32, #tpu.memory_space<vmem>>
      %dma_wait3A_136 = tpu.memref_squeeze %dma_wait3A_135 : memref<1x200x128xi32, #tpu.memory_space<vmem>> -> memref<200x128xi32, #tpu.memory_space<vmem>>
      %dma_wait3A_137 = arith.constant 0 : i32
      %dma_wait3A_138 = tpu.memref_slice %arg7[%dma_wait3A_137] : memref<10000xi32, #tpu.memory_space<vmem>> -> memref<200xi32, #tpu.memory_space<vmem>>
      %dma_wait3A_139 = arith.constant 0 : i32
      %dma_wait3A_140 = arith.constant 0 : i32
      %dma_wait3A_141 = tpu.memref_slice %arg2[%dma_wait3A_139, %dma_wait3A_140] : memref<10000x128xi32, #tpu.memory_space<hbm>> -> memref<10000x128xi32, #tpu.memory_space<hbm>>
      tpu.wait_indirect_dma semaphore(%arg13 : memref<!tpu.dma_semaphore, #tpu.memory_space<semaphore_mem>>) src(%dma_wait3A_141 : memref<10000x128xi32, #tpu.memory_space<hbm>>) dst(%dma_wait3A_136 : memref<200x128xi32, #tpu.memory_space<vmem>>)
      %add3A_142 = arith.constant 2 : i32
      %add3A_143 = arith.addi %add3A_121, %add3A_142 : i32
      %sub3A_144 = arith.constant 1 : i32
      %sub3A_145 = arith.subi %add3A_143, %sub3A_144 : i32
      %mul3A_146 = arith.constant 200 : i32
      %mul3A_147 = arith.muli %sub3A_145, %mul3A_146 : i32
      %dma_start3A_148 = arith.constant 1 : i32
      %dma_start3A_149 = arith.constant 0 : i32
      %dma_start3A_150 = arith.constant 0 : i32
      %dma_start3A_151 = tpu.memref_slice %arg8[%dma_start3A_148, %dma_start3A_149, %dma_start3A_150] : memref<2x200x128xi32, #tpu.memory_space<vmem>> -> memref<1x200x128xi32, #tpu.memory_space<vmem>>
      %dma_start3A_152 = tpu.memref_squeeze %dma_start3A_151 : memref<1x200x128xi32, #tpu.memory_space<vmem>> -> memref<200x128xi32, #tpu.memory_space<vmem>>
      %dma_start3A_153 = tpu.memref_slice %arg6[%mul3A_147] : memref<10000xi32, #tpu.memory_space<vmem>> -> memref<200xi32, #tpu.memory_space<vmem>>
      %dma_start3A_154 = arith.constant 0 : i32
      %dma_start3A_155 = arith.constant 0 : i32
      %dma_start3A_156 = tpu.memref_slice %arg2[%dma_start3A_154, %dma_start3A_155] : memref<10000x128xi32, #tpu.memory_space<hbm>> -> memref<10000x128xi32, #tpu.memory_space<hbm>>
      tpu.enqueue_indirect_dma source(%dma_start3A_156 : memref<10000x128xi32, #tpu.memory_space<hbm>>) target(%dma_start3A_152 : memref<200x128xi32, #tpu.memory_space<vmem>>) offsets(%dma_start3A_153 : memref<200xi32, #tpu.memory_space<vmem>>) semaphore(%arg12 : memref<!tpu.dma_semaphore, #tpu.memory_space<semaphore_mem>>)
      %mul3A_157 = arith.constant 200 : i32
      %mul3A_158 = arith.muli %sub3A_145, %mul3A_157 : i32
      %dma_start3A_159 = arith.constant 1 : i32
      %dma_start3A_160 = arith.constant 0 : i32
      %dma_start3A_161 = arith.constant 0 : i32
      %dma_start3A_162 = tpu.memref_slice %arg9[%dma_start3A_159, %dma_start3A_160, %dma_start3A_161] : memref<2x200x128xi32, #tpu.memory_space<vmem>> -> memref<1x200x128xi32, #tpu.memory_space<vmem>>
      %dma_start3A_163 = tpu.memref_squeeze %dma_start3A_162 : memref<1x200x128xi32, #tpu.memory_space<vmem>> -> memref<200x128xi32, #tpu.memory_space<vmem>>
      %dma_start3A_164 = tpu.memref_slice %arg7[%mul3A_158] : memref<10000xi32, #tpu.memory_space<vmem>> -> memref<200xi32, #tpu.memory_space<vmem>>
      %dma_start3A_165 = arith.constant 0 : i32
      %dma_start3A_166 = arith.constant 0 : i32
      %dma_start3A_167 = tpu.memref_slice %arg2[%dma_start3A_165, %dma_start3A_166] : memref<10000x128xi32, #tpu.memory_space<hbm>> -> memref<10000x128xi32, #tpu.memory_space<hbm>>
      tpu.enqueue_indirect_dma source(%dma_start3A_167 : memref<10000x128xi32, #tpu.memory_space<hbm>>) target(%dma_start3A_163 : memref<200x128xi32, #tpu.memory_space<vmem>>) offsets(%dma_start3A_164 : memref<200xi32, #tpu.memory_space<vmem>>) semaphore(%arg14 : memref<!tpu.dma_semaphore, #tpu.memory_space<semaphore_mem>>)
      %parallel_loop3A_168 = arith.constant 0 : i32
      %parallel_loop3A_169 = arith.constant 200 : i32
      %parallel_loop3A_170 = arith.constant 1 : i32
      %parallel_loop3A_171:2 = scf.for %parallel_loop3A_226 = %parallel_loop3A_168 to %parallel_loop3A_169 step %parallel_loop3A_170 iter_args(%parallel_loop3A_227 = %scan3A_116, %parallel_loop3A_228 = %scan3A_117) -> (vector<16xf32>, vector<16xf32>)  : i32 {
        %parallel_loop3A_229 = arith.constant 0 : i32
        %parallel_loop3A_230 = arith.index_cast %parallel_loop3A_229 : i32 to index
        %parallel_loop3A_231 = arith.index_cast %parallel_loop3A_226 : i32 to index
        %parallel_loop3A_232 = arith.constant 0 : index
        %parallel_loop3A_233 = tpu.vector_load %arg8[%parallel_loop3A_230, %parallel_loop3A_231, %parallel_loop3A_232] {strides = array<i32>} : memref<2x200x128xi32, #tpu.memory_space<vmem>>, vector<1x1x16xi32>,
        %parallel_loop3A_234 = vector.shape_cast %parallel_loop3A_233 : vector<1x1x16xi32> to vector<16xi32>
        %parallel_loop3A_235 = arith.constant 16 : i32
        %parallel_loop3A_236 = vector.broadcast %parallel_loop3A_235 : i32 to vector<16xi32>
        %parallel_loop3A_237 = arith.shli %parallel_loop3A_234, %parallel_loop3A_236 : vector<16xi32>
        %parallel_loop3A_238 = tpu.bitcast %parallel_loop3A_237 : vector<16xi32> -> vector<16xf32>
        %parallel_loop3A_239 = arith.andi %parallel_loop3A_234, %broadcast_in_dim3A_17 : vector<16xi32>
        %parallel_loop3A_240 = tpu.bitcast %parallel_loop3A_239 : vector<16xi32> -> vector<16xf32>
        %parallel_loop3A_241 = arith.constant 0 : i32
        %parallel_loop3A_242 = arith.index_cast %parallel_loop3A_241 : i32 to index
        %parallel_loop3A_243 = arith.index_cast %parallel_loop3A_226 : i32 to index
        %parallel_loop3A_244 = arith.constant 0 : index
        %parallel_loop3A_245 = tpu.vector_load %arg9[%parallel_loop3A_242, %parallel_loop3A_243, %parallel_loop3A_244] {strides = array<i32>} : memref<2x200x128xi32, #tpu.memory_space<vmem>>, vector<1x1x16xi32>,
        %parallel_loop3A_246 = vector.shape_cast %parallel_loop3A_245 : vector<1x1x16xi32> to vector<16xi32>
        %parallel_loop3A_247 = arith.constant 16 : i32
        %parallel_loop3A_248 = vector.broadcast %parallel_loop3A_247 : i32 to vector<16xi32>
        %parallel_loop3A_249 = arith.shli %parallel_loop3A_246, %parallel_loop3A_248 : vector<16xi32>
        %parallel_loop3A_250 = tpu.bitcast %parallel_loop3A_249 : vector<16xi32> -> vector<16xf32>
        %parallel_loop3A_251 = arith.andi %parallel_loop3A_246, %broadcast_in_dim3A_17 : vector<16xi32>
        %parallel_loop3A_252 = tpu.bitcast %parallel_loop3A_251 : vector<16xi32> -> vector<16xf32>
        %parallel_loop3A_253 = arith.mulf %parallel_loop3A_238, %parallel_loop3A_250 : vector<16xf32>
        %parallel_loop3A_254 = arith.addf %broadcast_in_dim3A_1, %parallel_loop3A_253 : vector<16xf32>
        %parallel_loop3A_255 = arith.mulf %parallel_loop3A_240, %parallel_loop3A_252 : vector<16xf32>
        %parallel_loop3A_256 = arith.addf %parallel_loop3A_254, %parallel_loop3A_255 : vector<16xf32>
        %parallel_loop3A_257 = arith.constant 0 : i32
        %parallel_loop3A_258 = arith.index_cast %parallel_loop3A_257 : i32 to index
        %parallel_loop3A_259 = arith.index_cast %parallel_loop3A_226 : i32 to index
        %parallel_loop3A_260 = arith.constant 16 : index
        %parallel_loop3A_261 = tpu.vector_load %arg8[%parallel_loop3A_258, %parallel_loop3A_259, %parallel_loop3A_260] {strides = array<i32>} : memref<2x200x128xi32, #tpu.memory_space<vmem>>, vector<1x1x16xi32>,
        %parallel_loop3A_262 = vector.shape_cast %parallel_loop3A_261 : vector<1x1x16xi32> to vector<16xi32>
        %parallel_loop3A_263 = arith.constant 16 : i32
        %parallel_loop3A_264 = vector.broadcast %parallel_loop3A_263 : i32 to vector<16xi32>
        %parallel_loop3A_265 = arith.shli %parallel_loop3A_262, %parallel_loop3A_264 : vector<16xi32>
        %parallel_loop3A_266 = tpu.bitcast %parallel_loop3A_265 : vector<16xi32> -> vector<16xf32>
        %parallel_loop3A_267 = arith.andi %parallel_loop3A_262, %broadcast_in_dim3A_17 : vector<16xi32>
        %parallel_loop3A_268 = tpu.bitcast %parallel_loop3A_267 : vector<16xi32> -> vector<16xf32>
        %parallel_loop3A_269 = arith.constant 0 : i32
        %parallel_loop3A_270 = arith.index_cast %parallel_loop3A_269 : i32 to index
        %parallel_loop3A_271 = arith.index_cast %parallel_loop3A_226 : i32 to index
        %parallel_loop3A_272 = arith.constant 16 : index
        %parallel_loop3A_273 = tpu.vector_load %arg9[%parallel_loop3A_270, %parallel_loop3A_271, %parallel_loop3A_272] {strides = array<i32>} : memref<2x200x128xi32, #tpu.memory_space<vmem>>, vector<1x1x16xi32>,
        %parallel_loop3A_274 = vector.shape_cast %parallel_loop3A_273 : vector<1x1x16xi32> to vector<16xi32>
        %parallel_loop3A_275 = arith.constant 16 : i32
        %parallel_loop3A_276 = vector.broadcast %parallel_loop3A_275 : i32 to vector<16xi32>
        %parallel_loop3A_277 = arith.shli %parallel_loop3A_274, %parallel_loop3A_276 : vector<16xi32>
        %parallel_loop3A_278 = tpu.bitcast %parallel_loop3A_277 : vector<16xi32> -> vector<16xf32>
        %parallel_loop3A_279 = arith.andi %parallel_loop3A_274, %broadcast_in_dim3A_17 : vector<16xi32>
        %parallel_loop3A_280 = tpu.bitcast %parallel_loop3A_279 : vector<16xi32> -> vector<16xf32>
        %parallel_loop3A_281 = arith.mulf %parallel_loop3A_266, %parallel_loop3A_278 : vector<16xf32>
        %parallel_loop3A_282 = arith.addf %parallel_loop3A_256, %parallel_loop3A_281 : vector<16xf32>
        %parallel_loop3A_283 = arith.mulf %parallel_loop3A_268, %parallel_loop3A_280 : vector<16xf32>
        %parallel_loop3A_284 = arith.addf %parallel_loop3A_282, %parallel_loop3A_283 : vector<16xf32>
        %parallel_loop3A_285 = arith.constant 0 : i32
        %parallel_loop3A_286 = arith.index_cast %parallel_loop3A_285 : i32 to index
        %parallel_loop3A_287 = arith.index_cast %parallel_loop3A_226 : i32 to index
        %parallel_loop3A_288 = arith.constant 32 : index
        %parallel_loop3A_289 = tpu.vector_load %arg8[%parallel_loop3A_286, %parallel_loop3A_287, %parallel_loop3A_288] {strides = array<i32>} : memref<2x200x128xi32, #tpu.memory_space<vmem>>, vector<1x1x16xi32>,
        %parallel_loop3A_290 = vector.shape_cast %parallel_loop3A_289 : vector<1x1x16xi32> to vector<16xi32>
        %parallel_loop3A_291 = arith.constant 16 : i32
        %parallel_loop3A_292 = vector.broadcast %parallel_loop3A_291 : i32 to vector<16xi32>
        %parallel_loop3A_293 = arith.shli %parallel_loop3A_290, %parallel_loop3A_292 : vector<16xi32>
        %parallel_loop3A_294 = tpu.bitcast %parallel_loop3A_293 : vector<16xi32> -> vector<16xf32>
        %parallel_loop3A_295 = arith.andi %parallel_loop3A_290, %broadcast_in_dim3A_17 : vector<16xi32>
        %parallel_loop3A_296 = tpu.bitcast %parallel_loop3A_295 : vector<16xi32> -> vector<16xf32>
        %parallel_loop3A_297 = arith.constant 0 : i32
        %parallel_loop3A_298 = arith.index_cast %parallel_loop3A_297 : i32 to index
        %parallel_loop3A_299 = arith.index_cast %parallel_loop3A_226 : i32 to index
        %parallel_loop3A_300 = arith.constant 32 : index
        %parallel_loop3A_301 = tpu.vector_load %arg9[%parallel_loop3A_298, %parallel_loop3A_299, %parallel_loop3A_300] {strides = array<i32>} : memref<2x200x128xi32, #tpu.memory_space<vmem>>, vector<1x1x16xi32>,
        %parallel_loop3A_302 = vector.shape_cast %parallel_loop3A_301 : vector<1x1x16xi32> to vector<16xi32>
        %parallel_loop3A_303 = arith.constant 16 : i32
        %parallel_loop3A_304 = vector.broadcast %parallel_loop3A_303 : i32 to vector<16xi32>
        %parallel_loop3A_305 = arith.shli %parallel_loop3A_302, %parallel_loop3A_304 : vector<16xi32>
        %parallel_loop3A_306 = tpu.bitcast %parallel_loop3A_305 : vector<16xi32> -> vector<16xf32>
        %parallel_loop3A_307 = arith.andi %parallel_loop3A_302, %broadcast_in_dim3A_17 : vector<16xi32>
        %parallel_loop3A_308 = tpu.bitcast %parallel_loop3A_307 : vector<16xi32> -> vector<16xf32>
        %parallel_loop3A_309 = arith.mulf %parallel_loop3A_294, %parallel_loop3A_306 : vector<16xf32>
        %parallel_loop3A_310 = arith.addf %parallel_loop3A_284, %parallel_loop3A_309 : vector<16xf32>
        %parallel_loop3A_311 = arith.mulf %parallel_loop3A_296, %parallel_loop3A_308 : vector<16xf32>
        %parallel_loop3A_312 = arith.addf %parallel_loop3A_310, %parallel_loop3A_311 : vector<16xf32>
        %parallel_loop3A_313 = arith.constant 0 : i32
        %parallel_loop3A_314 = arith.index_cast %parallel_loop3A_313 : i32 to index
        %parallel_loop3A_315 = arith.index_cast %parallel_loop3A_226 : i32 to index
        %parallel_loop3A_316 = arith.constant 48 : index
        %parallel_loop3A_317 = tpu.vector_load %arg8[%parallel_loop3A_314, %parallel_loop3A_315, %parallel_loop3A_316] {strides = array<i32>} : memref<2x200x128xi32, #tpu.memory_space<vmem>>, vector<1x1x16xi32>,
        %parallel_loop3A_318 = vector.shape_cast %parallel_loop3A_317 : vector<1x1x16xi32> to vector<16xi32>
        %parallel_loop3A_319 = arith.constant 16 : i32
        %parallel_loop3A_320 = vector.broadcast %parallel_loop3A_319 : i32 to vector<16xi32>
        %parallel_loop3A_321 = arith.shli %parallel_loop3A_318, %parallel_loop3A_320 : vector<16xi32>
        %parallel_loop3A_322 = tpu.bitcast %parallel_loop3A_321 : vector<16xi32> -> vector<16xf32>
        %parallel_loop3A_323 = arith.andi %parallel_loop3A_318, %broadcast_in_dim3A_17 : vector<16xi32>
        %parallel_loop3A_324 = tpu.bitcast %parallel_loop3A_323 : vector<16xi32> -> vector<16xf32>
        %parallel_loop3A_325 = arith.constant 0 : i32
        %parallel_loop3A_326 = arith.index_cast %parallel_loop3A_325 : i32 to index
        %parallel_loop3A_327 = arith.index_cast %parallel_loop3A_226 : i32 to index
        %parallel_loop3A_328 = arith.constant 48 : index
        %parallel_loop3A_329 = tpu.vector_load %arg9[%parallel_loop3A_326, %parallel_loop3A_327, %parallel_loop3A_328] {strides = array<i32>} : memref<2x200x128xi32, #tpu.memory_space<vmem>>, vector<1x1x16xi32>,
        %parallel_loop3A_330 = vector.shape_cast %parallel_loop3A_329 : vector<1x1x16xi32> to vector<16xi32>
        %parallel_loop3A_331 = arith.constant 16 : i32
        %parallel_loop3A_332 = vector.broadcast %parallel_loop3A_331 : i32 to vector<16xi32>
        %parallel_loop3A_333 = arith.shli %parallel_loop3A_330, %parallel_loop3A_332 : vector<16xi32>
        %parallel_loop3A_334 = tpu.bitcast %parallel_loop3A_333 : vector<16xi32> -> vector<16xf32>
        %parallel_loop3A_335 = arith.andi %parallel_loop3A_330, %broadcast_in_dim3A_17 : vector<16xi32>
        %parallel_loop3A_336 = tpu.bitcast %parallel_loop3A_335 : vector<16xi32> -> vector<16xf32>
        %parallel_loop3A_337 = arith.mulf %parallel_loop3A_322, %parallel_loop3A_334 : vector<16xf32>
        %parallel_loop3A_338 = arith.addf %parallel_loop3A_312, %parallel_loop3A_337 : vector<16xf32>
        %parallel_loop3A_339 = arith.mulf %parallel_loop3A_324, %parallel_loop3A_336 : vector<16xf32>
        %parallel_loop3A_340 = arith.addf %parallel_loop3A_338, %parallel_loop3A_339 : vector<16xf32>
        %parallel_loop3A_341 = arith.constant 0 : i32
        %parallel_loop3A_342 = arith.index_cast %parallel_loop3A_341 : i32 to index
        %parallel_loop3A_343 = arith.index_cast %parallel_loop3A_226 : i32 to index
        %parallel_loop3A_344 = arith.constant 64 : index
        %parallel_loop3A_345 = tpu.vector_load %arg8[%parallel_loop3A_342, %parallel_loop3A_343, %parallel_loop3A_344] {strides = array<i32>} : memref<2x200x128xi32, #tpu.memory_space<vmem>>, vector<1x1x16xi32>,
        %parallel_loop3A_346 = vector.shape_cast %parallel_loop3A_345 : vector<1x1x16xi32> to vector<16xi32>
        %parallel_loop3A_347 = arith.constant 16 : i32
        %parallel_loop3A_348 = vector.broadcast %parallel_loop3A_347 : i32 to vector<16xi32>
        %parallel_loop3A_349 = arith.shli %parallel_loop3A_346, %parallel_loop3A_348 : vector<16xi32>
        %parallel_loop3A_350 = tpu.bitcast %parallel_loop3A_349 : vector<16xi32> -> vector<16xf32>
        %parallel_loop3A_351 = arith.andi %parallel_loop3A_346, %broadcast_in_dim3A_17 : vector<16xi32>
        %parallel_loop3A_352 = tpu.bitcast %parallel_loop3A_351 : vector<16xi32> -> vector<16xf32>
        %parallel_loop3A_353 = arith.constant 0 : i32
        %parallel_loop3A_354 = arith.index_cast %parallel_loop3A_353 : i32 to index
        %parallel_loop3A_355 = arith.index_cast %parallel_loop3A_226 : i32 to index
        %parallel_loop3A_356 = arith.constant 64 : index
        %parallel_loop3A_357 = tpu.vector_load %arg9[%parallel_loop3A_354, %parallel_loop3A_355, %parallel_loop3A_356] {strides = array<i32>} : memref<2x200x128xi32, #tpu.memory_space<vmem>>, vector<1x1x16xi32>,
        %parallel_loop3A_358 = vector.shape_cast %parallel_loop3A_357 : vector<1x1x16xi32> to vector<16xi32>
        %parallel_loop3A_359 = arith.constant 16 : i32
        %parallel_loop3A_360 = vector.broadcast %parallel_loop3A_359 : i32 to vector<16xi32>
        %parallel_loop3A_361 = arith.shli %parallel_loop3A_358, %parallel_loop3A_360 : vector<16xi32>
        %parallel_loop3A_362 = tpu.bitcast %parallel_loop3A_361 : vector<16xi32> -> vector<16xf32>
        %parallel_loop3A_363 = arith.andi %parallel_loop3A_358, %broadcast_in_dim3A_17 : vector<16xi32>
        %parallel_loop3A_364 = tpu.bitcast %parallel_loop3A_363 : vector<16xi32> -> vector<16xf32>
        %parallel_loop3A_365 = arith.subf %parallel_loop3A_350, %parallel_loop3A_362 : vector<16xf32>
        %parallel_loop3A_366 = arith.subf %parallel_loop3A_352, %parallel_loop3A_364 : vector<16xf32>
        %parallel_loop3A_367 = arith.mulf %parallel_loop3A_365, %parallel_loop3A_365 : vector<16xf32>
        %parallel_loop3A_368 = arith.addf %broadcast_in_dim3A_1, %parallel_loop3A_367 : vector<16xf32>
        %parallel_loop3A_369 = arith.mulf %parallel_loop3A_366, %parallel_loop3A_366 : vector<16xf32>
        %parallel_loop3A_370 = arith.addf %parallel_loop3A_368, %parallel_loop3A_369 : vector<16xf32>
        %parallel_loop3A_371 = arith.constant 0 : i32
        %parallel_loop3A_372 = arith.index_cast %parallel_loop3A_371 : i32 to index
        %parallel_loop3A_373 = arith.index_cast %parallel_loop3A_226 : i32 to index
        %parallel_loop3A_374 = arith.constant 80 : index
        %parallel_loop3A_375 = tpu.vector_load %arg8[%parallel_loop3A_372, %parallel_loop3A_373, %parallel_loop3A_374] {strides = array<i32>} : memref<2x200x128xi32, #tpu.memory_space<vmem>>, vector<1x1x16xi32>,
        %parallel_loop3A_376 = vector.shape_cast %parallel_loop3A_375 : vector<1x1x16xi32> to vector<16xi32>
        %parallel_loop3A_377 = arith.constant 16 : i32
        %parallel_loop3A_378 = vector.broadcast %parallel_loop3A_377 : i32 to vector<16xi32>
        %parallel_loop3A_379 = arith.shli %parallel_loop3A_376, %parallel_loop3A_378 : vector<16xi32>
        %parallel_loop3A_380 = tpu.bitcast %parallel_loop3A_379 : vector<16xi32> -> vector<16xf32>
        %parallel_loop3A_381 = arith.andi %parallel_loop3A_376, %broadcast_in_dim3A_17 : vector<16xi32>
        %parallel_loop3A_382 = tpu.bitcast %parallel_loop3A_381 : vector<16xi32> -> vector<16xf32>
        %parallel_loop3A_383 = arith.constant 0 : i32
        %parallel_loop3A_384 = arith.index_cast %parallel_loop3A_383 : i32 to index
        %parallel_loop3A_385 = arith.index_cast %parallel_loop3A_226 : i32 to index
        %parallel_loop3A_386 = arith.constant 80 : index
        %parallel_loop3A_387 = tpu.vector_load %arg9[%parallel_loop3A_384, %parallel_loop3A_385, %parallel_loop3A_386] {strides = array<i32>} : memref<2x200x128xi32, #tpu.memory_space<vmem>>, vector<1x1x16xi32>,
        %parallel_loop3A_388 = vector.shape_cast %parallel_loop3A_387 : vector<1x1x16xi32> to vector<16xi32>
        %parallel_loop3A_389 = arith.constant 16 : i32
        %parallel_loop3A_390 = vector.broadcast %parallel_loop3A_389 : i32 to vector<16xi32>
        %parallel_loop3A_391 = arith.shli %parallel_loop3A_388, %parallel_loop3A_390 : vector<16xi32>
        %parallel_loop3A_392 = tpu.bitcast %parallel_loop3A_391 : vector<16xi32> -> vector<16xf32>
        %parallel_loop3A_393 = arith.andi %parallel_loop3A_388, %broadcast_in_dim3A_17 : vector<16xi32>
        %parallel_loop3A_394 = tpu.bitcast %parallel_loop3A_393 : vector<16xi32> -> vector<16xf32>
        %parallel_loop3A_395 = arith.subf %parallel_loop3A_380, %parallel_loop3A_392 : vector<16xf32>
        %parallel_loop3A_396 = arith.subf %parallel_loop3A_382, %parallel_loop3A_394 : vector<16xf32>
        %parallel_loop3A_397 = arith.mulf %parallel_loop3A_395, %parallel_loop3A_395 : vector<16xf32>
        %parallel_loop3A_398 = arith.addf %parallel_loop3A_370, %parallel_loop3A_397 : vector<16xf32>
        %parallel_loop3A_399 = arith.mulf %parallel_loop3A_396, %parallel_loop3A_396 : vector<16xf32>
        %parallel_loop3A_400 = arith.addf %parallel_loop3A_398, %parallel_loop3A_399 : vector<16xf32>
        %parallel_loop3A_401 = arith.constant 0 : i32
        %parallel_loop3A_402 = arith.index_cast %parallel_loop3A_401 : i32 to index
        %parallel_loop3A_403 = arith.index_cast %parallel_loop3A_226 : i32 to index
        %parallel_loop3A_404 = arith.constant 96 : index
        %parallel_loop3A_405 = tpu.vector_load %arg8[%parallel_loop3A_402, %parallel_loop3A_403, %parallel_loop3A_404] {strides = array<i32>} : memref<2x200x128xi32, #tpu.memory_space<vmem>>, vector<1x1x16xi32>,
        %parallel_loop3A_406 = vector.shape_cast %parallel_loop3A_405 : vector<1x1x16xi32> to vector<16xi32>
        %parallel_loop3A_407 = arith.constant 16 : i32
        %parallel_loop3A_408 = vector.broadcast %parallel_loop3A_407 : i32 to vector<16xi32>
        %parallel_loop3A_409 = arith.shli %parallel_loop3A_406, %parallel_loop3A_408 : vector<16xi32>
        %parallel_loop3A_410 = tpu.bitcast %parallel_loop3A_409 : vector<16xi32> -> vector<16xf32>
        %parallel_loop3A_411 = arith.andi %parallel_loop3A_406, %broadcast_in_dim3A_17 : vector<16xi32>
        %parallel_loop3A_412 = tpu.bitcast %parallel_loop3A_411 : vector<16xi32> -> vector<16xf32>
        %parallel_loop3A_413 = arith.constant 0 : i32
        %parallel_loop3A_414 = arith.index_cast %parallel_loop3A_413 : i32 to index
        %parallel_loop3A_415 = arith.index_cast %parallel_loop3A_226 : i32 to index
        %parallel_loop3A_416 = arith.constant 96 : index
        %parallel_loop3A_417 = tpu.vector_load %arg9[%parallel_loop3A_414, %parallel_loop3A_415, %parallel_loop3A_416] {strides = array<i32>} : memref<2x200x128xi32, #tpu.memory_space<vmem>>, vector<1x1x16xi32>,
        %parallel_loop3A_418 = vector.shape_cast %parallel_loop3A_417 : vector<1x1x16xi32> to vector<16xi32>
        %parallel_loop3A_419 = arith.constant 16 : i32
        %parallel_loop3A_420 = vector.broadcast %parallel_loop3A_419 : i32 to vector<16xi32>
        %parallel_loop3A_421 = arith.shli %parallel_loop3A_418, %parallel_loop3A_420 : vector<16xi32>
        %parallel_loop3A_422 = tpu.bitcast %parallel_loop3A_421 : vector<16xi32> -> vector<16xf32>
        %parallel_loop3A_423 = arith.andi %parallel_loop3A_418, %broadcast_in_dim3A_17 : vector<16xi32>
        %parallel_loop3A_424 = tpu.bitcast %parallel_loop3A_423 : vector<16xi32> -> vector<16xf32>
        %parallel_loop3A_425 = arith.subf %parallel_loop3A_410, %parallel_loop3A_422 : vector<16xf32>
        %parallel_loop3A_426 = arith.subf %parallel_loop3A_412, %parallel_loop3A_424 : vector<16xf32>
        %parallel_loop3A_427 = arith.mulf %parallel_loop3A_425, %parallel_loop3A_425 : vector<16xf32>
        %parallel_loop3A_428 = arith.addf %parallel_loop3A_400, %parallel_loop3A_427 : vector<16xf32>
        %parallel_loop3A_429 = arith.mulf %parallel_loop3A_426, %parallel_loop3A_426 : vector<16xf32>
        %parallel_loop3A_430 = arith.addf %parallel_loop3A_428, %parallel_loop3A_429 : vector<16xf32>
        %parallel_loop3A_431 = arith.constant 0 : i32
        %parallel_loop3A_432 = arith.index_cast %parallel_loop3A_431 : i32 to index
        %parallel_loop3A_433 = arith.index_cast %parallel_loop3A_226 : i32 to index
        %parallel_loop3A_434 = arith.constant 112 : index
        %parallel_loop3A_435 = tpu.vector_load %arg8[%parallel_loop3A_432, %parallel_loop3A_433, %parallel_loop3A_434] {strides = array<i32>} : memref<2x200x128xi32, #tpu.memory_space<vmem>>, vector<1x1x16xi32>,
        %parallel_loop3A_436 = vector.shape_cast %parallel_loop3A_435 : vector<1x1x16xi32> to vector<16xi32>
        %parallel_loop3A_437 = arith.constant 16 : i32
        %parallel_loop3A_438 = vector.broadcast %parallel_loop3A_437 : i32 to vector<16xi32>
        %parallel_loop3A_439 = arith.shli %parallel_loop3A_436, %parallel_loop3A_438 : vector<16xi32>
        %parallel_loop3A_440 = tpu.bitcast %parallel_loop3A_439 : vector<16xi32> -> vector<16xf32>
        %parallel_loop3A_441 = arith.andi %parallel_loop3A_436, %broadcast_in_dim3A_17 : vector<16xi32>
        %parallel_loop3A_442 = tpu.bitcast %parallel_loop3A_441 : vector<16xi32> -> vector<16xf32>
        %parallel_loop3A_443 = arith.constant 0 : i32
        %parallel_loop3A_444 = arith.index_cast %parallel_loop3A_443 : i32 to index
        %parallel_loop3A_445 = arith.index_cast %parallel_loop3A_226 : i32 to index
        %parallel_loop3A_446 = arith.constant 112 : index
        %parallel_loop3A_447 = tpu.vector_load %arg9[%parallel_loop3A_444, %parallel_loop3A_445, %parallel_loop3A_446] {strides = array<i32>} : memref<2x200x128xi32, #tpu.memory_space<vmem>>, vector<1x1x16xi32>,
        %parallel_loop3A_448 = vector.shape_cast %parallel_loop3A_447 : vector<1x1x16xi32> to vector<16xi32>
        %parallel_loop3A_449 = arith.constant 16 : i32
        %parallel_loop3A_450 = vector.broadcast %parallel_loop3A_449 : i32 to vector<16xi32>
        %parallel_loop3A_451 = arith.shli %parallel_loop3A_448, %parallel_loop3A_450 : vector<16xi32>
        %parallel_loop3A_452 = tpu.bitcast %parallel_loop3A_451 : vector<16xi32> -> vector<16xf32>
        %parallel_loop3A_453 = arith.andi %parallel_loop3A_448, %broadcast_in_dim3A_17 : vector<16xi32>
        %parallel_loop3A_454 = tpu.bitcast %parallel_loop3A_453 : vector<16xi32> -> vector<16xf32>
        %parallel_loop3A_455 = arith.subf %parallel_loop3A_440, %parallel_loop3A_452 : vector<16xf32>
        %parallel_loop3A_456 = arith.subf %parallel_loop3A_442, %parallel_loop3A_454 : vector<16xf32>
        %parallel_loop3A_457 = arith.mulf %parallel_loop3A_455, %parallel_loop3A_455 : vector<16xf32>
        %parallel_loop3A_458 = arith.addf %parallel_loop3A_430, %parallel_loop3A_457 : vector<16xf32>
        %parallel_loop3A_459 = arith.mulf %parallel_loop3A_456, %parallel_loop3A_456 : vector<16xf32>
        %parallel_loop3A_460 = arith.addf %parallel_loop3A_458, %parallel_loop3A_459 : vector<16xf32>
        %parallel_loop3A_461 = vector.shape_cast %xor3A_3 : vector<16xi32> to vector<16x1xi32>
        %parallel_loop3A_462 = vector.shape_cast %parallel_loop3A_461 : vector<16x1xi32> to vector<16xi32>
        %parallel_loop3A_463 = tpu.dynamic_gather %parallel_loop3A_460[%parallel_loop3A_462] in [0] : vector<16xf32>, vector<16xi32> -> vector<16xf32>
        %parallel_loop3A_464 = arith.addf %parallel_loop3A_460, %parallel_loop3A_463 : vector<16xf32>
        %parallel_loop3A_465 = vector.shape_cast %xor3A_7 : vector<16xi32> to vector<16x1xi32>
        %parallel_loop3A_466 = vector.shape_cast %parallel_loop3A_465 : vector<16x1xi32> to vector<16xi32>
        %parallel_loop3A_467 = tpu.dynamic_gather %parallel_loop3A_464[%parallel_loop3A_466] in [0] : vector<16xf32>, vector<16xi32> -> vector<16xf32>
        %parallel_loop3A_468 = arith.addf %parallel_loop3A_464, %parallel_loop3A_467 : vector<16xf32>
        %parallel_loop3A_469 = vector.shape_cast %xor3A_11 : vector<16xi32> to vector<16x1xi32>
        %parallel_loop3A_470 = vector.shape_cast %parallel_loop3A_469 : vector<16x1xi32> to vector<16xi32>
        %parallel_loop3A_471 = tpu.dynamic_gather %parallel_loop3A_468[%parallel_loop3A_470] in [0] : vector<16xf32>, vector<16xi32> -> vector<16xf32>
        %parallel_loop3A_472 = arith.addf %parallel_loop3A_468, %parallel_loop3A_471 : vector<16xf32>
        %parallel_loop3A_473 = vector.shape_cast %xor3A_15 : vector<16xi32> to vector<16x1xi32>
        %parallel_loop3A_474 = vector.shape_cast %parallel_loop3A_473 : vector<16x1xi32> to vector<16xi32>
        %parallel_loop3A_475 = tpu.dynamic_gather %parallel_loop3A_472[%parallel_loop3A_474] in [0] : vector<16xf32>, vector<16xi32> -> vector<16xf32>
        %parallel_loop3A_476 = arith.addf %parallel_loop3A_472, %parallel_loop3A_475 : vector<16xf32>
        %parallel_loop3A_477 = arith.addf %parallel_loop3A_227, %parallel_loop3A_460 : vector<16xf32>
        %parallel_loop3A_478 = arith.mulf %parallel_loop3A_340, %parallel_loop3A_476 : vector<16xf32>
        %parallel_loop3A_479 = arith.addf %parallel_loop3A_228, %parallel_loop3A_478 : vector<16xf32>
        scf.yield %parallel_loop3A_477, %parallel_loop3A_479 : vector<16xf32>, vector<16xf32>
      } {sc.loop_unroll_factor = 2 : i64, sc.parallel_access}
      %mul3A_172 = arith.constant 2 : i32
      %mul3A_173 = arith.muli %scan3A_115, %mul3A_172 : i32
      %add3A_174 = arith.constant 1 : i32
      %add3A_175 = arith.addi %mul3A_173, %add3A_174 : i32
      %dma_wait3A_176 = arith.constant 1 : i32
      %dma_wait3A_177 = arith.constant 0 : i32
      %dma_wait3A_178 = arith.constant 0 : i32
      %dma_wait3A_179 = tpu.memref_slice %arg8[%dma_wait3A_176, %dma_wait3A_177, %dma_wait3A_178] : memref<2x200x128xi32, #tpu.memory_space<vmem>> -> memref<1x200x128xi32, #tpu.memory_space<vmem>>
      %dma_wait3A_180 = tpu.memref_squeeze %dma_wait3A_179 : memref<1x200x128xi32, #tpu.memory_space<vmem>> -> memref<200x128xi32, #tpu.memory_space<vmem>>
      %dma_wait3A_181 = arith.constant 0 : i32
      %dma_wait3A_182 = tpu.memref_slice %arg6[%dma_wait3A_181] : memref<10000xi32, #tpu.memory_space<vmem>> -> memref<200xi32, #tpu.memory_space<vmem>>
      %dma_wait3A_183 = arith.constant 0 : i32
      %dma_wait3A_184 = arith.constant 0 : i32
      %dma_wait3A_185 = tpu.memref_slice %arg2[%dma_wait3A_183, %dma_wait3A_184] : memref<10000x128xi32, #tpu.memory_space<hbm>> -> memref<10000x128xi32, #tpu.memory_space<hbm>>
      tpu.wait_indirect_dma semaphore(%arg12 : memref<!tpu.dma_semaphore, #tpu.memory_space<semaphore_mem>>) src(%dma_wait3A_185 : memref<10000x128xi32, #tpu.memory_space<hbm>>) dst(%dma_wait3A_180 : memref<200x128xi32, #tpu.memory_space<vmem>>)
      %dma_wait3A_186 = arith.constant 1 : i32
      %dma_wait3A_187 = arith.constant 0 : i32
      %dma_wait3A_188 = arith.constant 0 : i32
      %dma_wait3A_189 = tpu.memref_slice %arg9[%dma_wait3A_186, %dma_wait3A_187, %dma_wait3A_188] : memref<2x200x128xi32, #tpu.memory_space<vmem>> -> memref<1x200x128xi32, #tpu.memory_space<vmem>>
      %dma_wait3A_190 = tpu.memref_squeeze %dma_wait3A_189 : memref<1x200x128xi32, #tpu.memory_space<vmem>> -> memref<200x128xi32, #tpu.memory_space<vmem>>
      %dma_wait3A_191 = arith.constant 0 : i32
      %dma_wait3A_192 = tpu.memref_slice %arg7[%dma_wait3A_191] : memref<10000xi32, #tpu.memory_space<vmem>> -> memref<200xi32, #tpu.memory_space<vmem>>
      %dma_wait3A_193 = arith.constant 0 : i32
      %dma_wait3A_194 = arith.constant 0 : i32
      %dma_wait3A_195 = tpu.memref_slice %arg2[%dma_wait3A_193, %dma_wait3A_194] : memref<10000x128xi32, #tpu.memory_space<hbm>> -> memref<10000x128xi32, #tpu.memory_space<hbm>>
      tpu.wait_indirect_dma semaphore(%arg14 : memref<!tpu.dma_semaphore, #tpu.memory_space<semaphore_mem>>) src(%dma_wait3A_195 : memref<10000x128xi32, #tpu.memory_space<hbm>>) dst(%dma_wait3A_190 : memref<200x128xi32, #tpu.memory_space<vmem>>)
      %add3A_196 = arith.constant 2 : i32
      %add3A_197 = arith.addi %add3A_175, %add3A_196 : i32
      %sub3A_198 = arith.constant 1 : i32
      %sub3A_199 = arith.subi %add3A_197, %sub3A_198 : i32
      %mul3A_200 = arith.constant 200 : i32
      %mul3A_201 = arith.muli %sub3A_199, %mul3A_200 : i32
      %dma_start3A_202 = arith.constant 0 : i32
      %dma_start3A_203 = arith.constant 0 : i32
      %dma_start3A_204 = arith.constant 0 : i32
      %dma_start3A_205 = tpu.memref_slice %arg8[%dma_start3A_202, %dma_start3A_203, %dma_start3A_204] : memref<2x200x128xi32, #tpu.memory_space<vmem>> -> memref<1x200x128xi32, #tpu.memory_space<vmem>>
      %dma_start3A_206 = tpu.memref_squeeze %dma_start3A_205 : memref<1x200x128xi32, #tpu.memory_space<vmem>> -> memref<200x128xi32, #tpu.memory_space<vmem>>
      %dma_start3A_207 = tpu.memref_slice %arg6[%mul3A_201] : memref<10000xi32, #tpu.memory_space<vmem>> -> memref<200xi32, #tpu.memory_space<vmem>>
      %dma_start3A_208 = arith.constant 0 : i32
      %dma_start3A_209 = arith.constant 0 : i32
      %dma_start3A_210 = tpu.memref_slice %arg2[%dma_start3A_208, %dma_start3A_209] : memref<10000x128xi32, #tpu.memory_space<hbm>> -> memref<10000x128xi32, #tpu.memory_space<hbm>>
      tpu.enqueue_indirect_dma source(%dma_start3A_210 : memref<10000x128xi32, #tpu.memory_space<hbm>>) target(%dma_start3A_206 : memref<200x128xi32, #tpu.memory_space<vmem>>) offsets(%dma_start3A_207 : memref<200xi32, #tpu.memory_space<vmem>>) semaphore(%arg11 : memref<!tpu.dma_semaphore, #tpu.memory_space<semaphore_mem>>)
      %mul3A_211 = arith.constant 200 : i32
      %mul3A_212 = arith.muli %sub3A_199, %mul3A_211 : i32
      %dma_start3A_213 = arith.constant 0 : i32
      %dma_start3A_214 = arith.constant 0 : i32
      %dma_start3A_215 = arith.constant 0 : i32
      %dma_start3A_216 = tpu.memref_slice %arg9[%dma_start3A_213, %dma_start3A_214, %dma_start3A_215] : memref<2x200x128xi32, #tpu.memory_space<vmem>> -> memref<1x200x128xi32, #tpu.memory_space<vmem>>
      %dma_start3A_217 = tpu.memref_squeeze %dma_start3A_216 : memref<1x200x128xi32, #tpu.memory_space<vmem>> -> memref<200x128xi32, #tpu.memory_space<vmem>>
      %dma_start3A_218 = tpu.memref_slice %arg7[%mul3A_212] : memref<10000xi32, #tpu.memory_space<vmem>> -> memref<200xi32, #tpu.memory_space<vmem>>
      %dma_start3A_219 = arith.constant 0 : i32
      %dma_start3A_220 = arith.constant 0 : i32
      %dma_start3A_221 = tpu.memref_slice %arg2[%dma_start3A_219, %dma_start3A_220] : memref<10000x128xi32, #tpu.memory_space<hbm>> -> memref<10000x128xi32, #tpu.memory_space<hbm>>
      tpu.enqueue_indirect_dma source(%dma_start3A_221 : memref<10000x128xi32, #tpu.memory_space<hbm>>) target(%dma_start3A_217 : memref<200x128xi32, #tpu.memory_space<vmem>>) offsets(%dma_start3A_218 : memref<200xi32, #tpu.memory_space<vmem>>) semaphore(%arg13 : memref<!tpu.dma_semaphore, #tpu.memory_space<semaphore_mem>>)
      %parallel_loop3A_222 = arith.constant 0 : i32
      %parallel_loop3A_223 = arith.constant 200 : i32
      %parallel_loop3A_224 = arith.constant 1 : i32
      %parallel_loop3A_225:2 = scf.for %parallel_loop3A_226 = %parallel_loop3A_222 to %parallel_loop3A_223 step %parallel_loop3A_224 iter_args(%parallel_loop3A_227 = %parallel_loop3A_171#0, %parallel_loop3A_228 = %parallel_loop3A_171#1) -> (vector<16xf32>, vector<16xf32>)  : i32 {
        %parallel_loop3A_229 = arith.constant 1 : i32
        %parallel_loop3A_230 = arith.index_cast %parallel_loop3A_229 : i32 to index
        %parallel_loop3A_231 = arith.index_cast %parallel_loop3A_226 : i32 to index
        %parallel_loop3A_232 = arith.constant 0 : index
        %parallel_loop3A_233 = tpu.vector_load %arg8[%parallel_loop3A_230, %parallel_loop3A_231, %parallel_loop3A_232] {strides = array<i32>} : memref<2x200x128xi32, #tpu.memory_space<vmem>>, vector<1x1x16xi32>,
        %parallel_loop3A_234 = vector.shape_cast %parallel_loop3A_233 : vector<1x1x16xi32> to vector<16xi32>
        %parallel_loop3A_235 = arith.constant 16 : i32
        %parallel_loop3A_236 = vector.broadcast %parallel_loop3A_235 : i32 to vector<16xi32>
        %parallel_loop3A_237 = arith.shli %parallel_loop3A_234, %parallel_loop3A_236 : vector<16xi32>
        %parallel_loop3A_238 = tpu.bitcast %parallel_loop3A_237 : vector<16xi32> -> vector<16xf32>
        %parallel_loop3A_239 = arith.andi %parallel_loop3A_234, %broadcast_in_dim3A_17 : vector<16xi32>
        %parallel_loop3A_240 = tpu.bitcast %parallel_loop3A_239 : vector<16xi32> -> vector<16xf32>
        %parallel_loop3A_241 = arith.constant 1 : i32
        %parallel_loop3A_242 = arith.index_cast %parallel_loop3A_241 : i32 to index
        %parallel_loop3A_243 = arith.index_cast %parallel_loop3A_226 : i32 to index
        %parallel_loop3A_244 = arith.constant 0 : index
        %parallel_loop3A_245 = tpu.vector_load %arg9[%parallel_loop3A_242, %parallel_loop3A_243, %parallel_loop3A_244] {strides = array<i32>} : memref<2x200x128xi32, #tpu.memory_space<vmem>>, vector<1x1x16xi32>,
        %parallel_loop3A_246 = vector.shape_cast %parallel_loop3A_245 : vector<1x1x16xi32> to vector<16xi32>
        %parallel_loop3A_247 = arith.constant 16 : i32
        %parallel_loop3A_248 = vector.broadcast %parallel_loop3A_247 : i32 to vector<16xi32>
        %parallel_loop3A_249 = arith.shli %parallel_loop3A_246, %parallel_loop3A_248 : vector<16xi32>
        %parallel_loop3A_250 = tpu.bitcast %parallel_loop3A_249 : vector<16xi32> -> vector<16xf32>
        %parallel_loop3A_251 = arith.andi %parallel_loop3A_246, %broadcast_in_dim3A_17 : vector<16xi32>
        %parallel_loop3A_252 = tpu.bitcast %parallel_loop3A_251 : vector<16xi32> -> vector<16xf32>
        %parallel_loop3A_253 = arith.mulf %parallel_loop3A_238, %parallel_loop3A_250 : vector<16xf32>
        %parallel_loop3A_254 = arith.addf %broadcast_in_dim3A_1, %parallel_loop3A_253 : vector<16xf32>
        %parallel_loop3A_255 = arith.mulf %parallel_loop3A_240, %parallel_loop3A_252 : vector<16xf32>
        %parallel_loop3A_256 = arith.addf %parallel_loop3A_254, %parallel_loop3A_255 : vector<16xf32>
        %parallel_loop3A_257 = arith.constant 1 : i32
        %parallel_loop3A_258 = arith.index_cast %parallel_loop3A_257 : i32 to index
        %parallel_loop3A_259 = arith.index_cast %parallel_loop3A_226 : i32 to index
        %parallel_loop3A_260 = arith.constant 16 : index
        %parallel_loop3A_261 = tpu.vector_load %arg8[%parallel_loop3A_258, %parallel_loop3A_259, %parallel_loop3A_260] {strides = array<i32>} : memref<2x200x128xi32, #tpu.memory_space<vmem>>, vector<1x1x16xi32>,
        %parallel_loop3A_262 = vector.shape_cast %parallel_loop3A_261 : vector<1x1x16xi32> to vector<16xi32>
        %parallel_loop3A_263 = arith.constant 16 : i32
        %parallel_loop3A_264 = vector.broadcast %parallel_loop3A_263 : i32 to vector<16xi32>
        %parallel_loop3A_265 = arith.shli %parallel_loop3A_262, %parallel_loop3A_264 : vector<16xi32>
        %parallel_loop3A_266 = tpu.bitcast %parallel_loop3A_265 : vector<16xi32> -> vector<16xf32>
        %parallel_loop3A_267 = arith.andi %parallel_loop3A_262, %broadcast_in_dim3A_17 : vector<16xi32>
        %parallel_loop3A_268 = tpu.bitcast %parallel_loop3A_267 : vector<16xi32> -> vector<16xf32>
        %parallel_loop3A_269 = arith.constant 1 : i32
        %parallel_loop3A_270 = arith.index_cast %parallel_loop3A_269 : i32 to index
        %parallel_loop3A_271 = arith.index_cast %parallel_loop3A_226 : i32 to index
        %parallel_loop3A_272 = arith.constant 16 : index
        %parallel_loop3A_273 = tpu.vector_load %arg9[%parallel_loop3A_270, %parallel_loop3A_271, %parallel_loop3A_272] {strides = array<i32>} : memref<2x200x128xi32, #tpu.memory_space<vmem>>, vector<1x1x16xi32>,
        %parallel_loop3A_274 = vector.shape_cast %parallel_loop3A_273 : vector<1x1x16xi32> to vector<16xi32>
        %parallel_loop3A_275 = arith.constant 16 : i32
        %parallel_loop3A_276 = vector.broadcast %parallel_loop3A_275 : i32 to vector<16xi32>
        %parallel_loop3A_277 = arith.shli %parallel_loop3A_274, %parallel_loop3A_276 : vector<16xi32>
        %parallel_loop3A_278 = tpu.bitcast %parallel_loop3A_277 : vector<16xi32> -> vector<16xf32>
        %parallel_loop3A_279 = arith.andi %parallel_loop3A_274, %broadcast_in_dim3A_17 : vector<16xi32>
        %parallel_loop3A_280 = tpu.bitcast %parallel_loop3A_279 : vector<16xi32> -> vector<16xf32>
        %parallel_loop3A_281 = arith.mulf %parallel_loop3A_266, %parallel_loop3A_278 : vector<16xf32>
        %parallel_loop3A_282 = arith.addf %parallel_loop3A_256, %parallel_loop3A_281 : vector<16xf32>
        %parallel_loop3A_283 = arith.mulf %parallel_loop3A_268, %parallel_loop3A_280 : vector<16xf32>
        %parallel_loop3A_284 = arith.addf %parallel_loop3A_282, %parallel_loop3A_283 : vector<16xf32>
        %parallel_loop3A_285 = arith.constant 1 : i32
        %parallel_loop3A_286 = arith.index_cast %parallel_loop3A_285 : i32 to index
        %parallel_loop3A_287 = arith.index_cast %parallel_loop3A_226 : i32 to index
        %parallel_loop3A_288 = arith.constant 32 : index
        %parallel_loop3A_289 = tpu.vector_load %arg8[%parallel_loop3A_286, %parallel_loop3A_287, %parallel_loop3A_288] {strides = array<i32>} : memref<2x200x128xi32, #tpu.memory_space<vmem>>, vector<1x1x16xi32>,
        %parallel_loop3A_290 = vector.shape_cast %parallel_loop3A_289 : vector<1x1x16xi32> to vector<16xi32>
        %parallel_loop3A_291 = arith.constant 16 : i32
        %parallel_loop3A_292 = vector.broadcast %parallel_loop3A_291 : i32 to vector<16xi32>
        %parallel_loop3A_293 = arith.shli %parallel_loop3A_290, %parallel_loop3A_292 : vector<16xi32>
        %parallel_loop3A_294 = tpu.bitcast %parallel_loop3A_293 : vector<16xi32> -> vector<16xf32>
        %parallel_loop3A_295 = arith.andi %parallel_loop3A_290, %broadcast_in_dim3A_17 : vector<16xi32>
        %parallel_loop3A_296 = tpu.bitcast %parallel_loop3A_295 : vector<16xi32> -> vector<16xf32>
        %parallel_loop3A_297 = arith.constant 1 : i32
        %parallel_loop3A_298 = arith.index_cast %parallel_loop3A_297 : i32 to index
        %parallel_loop3A_299 = arith.index_cast %parallel_loop3A_226 : i32 to index
        %parallel_loop3A_300 = arith.constant 32 : index
        %parallel_loop3A_301 = tpu.vector_load %arg9[%parallel_loop3A_298, %parallel_loop3A_299, %parallel_loop3A_300] {strides = array<i32>} : memref<2x200x128xi32, #tpu.memory_space<vmem>>, vector<1x1x16xi32>,
        %parallel_loop3A_302 = vector.shape_cast %parallel_loop3A_301 : vector<1x1x16xi32> to vector<16xi32>
        %parallel_loop3A_303 = arith.constant 16 : i32
        %parallel_loop3A_304 = vector.broadcast %parallel_loop3A_303 : i32 to vector<16xi32>
        %parallel_loop3A_305 = arith.shli %parallel_loop3A_302, %parallel_loop3A_304 : vector<16xi32>
        %parallel_loop3A_306 = tpu.bitcast %parallel_loop3A_305 : vector<16xi32> -> vector<16xf32>
        %parallel_loop3A_307 = arith.andi %parallel_loop3A_302, %broadcast_in_dim3A_17 : vector<16xi32>
        %parallel_loop3A_308 = tpu.bitcast %parallel_loop3A_307 : vector<16xi32> -> vector<16xf32>
        %parallel_loop3A_309 = arith.mulf %parallel_loop3A_294, %parallel_loop3A_306 : vector<16xf32>
        %parallel_loop3A_310 = arith.addf %parallel_loop3A_284, %parallel_loop3A_309 : vector<16xf32>
        %parallel_loop3A_311 = arith.mulf %parallel_loop3A_296, %parallel_loop3A_308 : vector<16xf32>
        %parallel_loop3A_312 = arith.addf %parallel_loop3A_310, %parallel_loop3A_311 : vector<16xf32>
        %parallel_loop3A_313 = arith.constant 1 : i32
        %parallel_loop3A_314 = arith.index_cast %parallel_loop3A_313 : i32 to index
        %parallel_loop3A_315 = arith.index_cast %parallel_loop3A_226 : i32 to index
        %parallel_loop3A_316 = arith.constant 48 : index
        %parallel_loop3A_317 = tpu.vector_load %arg8[%parallel_loop3A_314, %parallel_loop3A_315, %parallel_loop3A_316] {strides = array<i32>} : memref<2x200x128xi32, #tpu.memory_space<vmem>>, vector<1x1x16xi32>,
        %parallel_loop3A_318 = vector.shape_cast %parallel_loop3A_317 : vector<1x1x16xi32> to vector<16xi32>
        %parallel_loop3A_319 = arith.constant 16 : i32
        %parallel_loop3A_320 = vector.broadcast %parallel_loop3A_319 : i32 to vector<16xi32>
        %parallel_loop3A_321 = arith.shli %parallel_loop3A_318, %parallel_loop3A_320 : vector<16xi32>
        %parallel_loop3A_322 = tpu.bitcast %parallel_loop3A_321 : vector<16xi32> -> vector<16xf32>
        %parallel_loop3A_323 = arith.andi %parallel_loop3A_318, %broadcast_in_dim3A_17 : vector<16xi32>
        %parallel_loop3A_324 = tpu.bitcast %parallel_loop3A_323 : vector<16xi32> -> vector<16xf32>
        %parallel_loop3A_325 = arith.constant 1 : i32
        %parallel_loop3A_326 = arith.index_cast %parallel_loop3A_325 : i32 to index
        %parallel_loop3A_327 = arith.index_cast %parallel_loop3A_226 : i32 to index
        %parallel_loop3A_328 = arith.constant 48 : index
        %parallel_loop3A_329 = tpu.vector_load %arg9[%parallel_loop3A_326, %parallel_loop3A_327, %parallel_loop3A_328] {strides = array<i32>} : memref<2x200x128xi32, #tpu.memory_space<vmem>>, vector<1x1x16xi32>,
        %parallel_loop3A_330 = vector.shape_cast %parallel_loop3A_329 : vector<1x1x16xi32> to vector<16xi32>
        %parallel_loop3A_331 = arith.constant 16 : i32
        %parallel_loop3A_332 = vector.broadcast %parallel_loop3A_331 : i32 to vector<16xi32>
        %parallel_loop3A_333 = arith.shli %parallel_loop3A_330, %parallel_loop3A_332 : vector<16xi32>
        %parallel_loop3A_334 = tpu.bitcast %parallel_loop3A_333 : vector<16xi32> -> vector<16xf32>
        %parallel_loop3A_335 = arith.andi %parallel_loop3A_330, %broadcast_in_dim3A_17 : vector<16xi32>
        %parallel_loop3A_336 = tpu.bitcast %parallel_loop3A_335 : vector<16xi32> -> vector<16xf32>
        %parallel_loop3A_337 = arith.mulf %parallel_loop3A_322, %parallel_loop3A_334 : vector<16xf32>
        %parallel_loop3A_338 = arith.addf %parallel_loop3A_312, %parallel_loop3A_337 : vector<16xf32>
        %parallel_loop3A_339 = arith.mulf %parallel_loop3A_324, %parallel_loop3A_336 : vector<16xf32>
        %parallel_loop3A_340 = arith.addf %parallel_loop3A_338, %parallel_loop3A_339 : vector<16xf32>
        %parallel_loop3A_341 = arith.constant 1 : i32
        %parallel_loop3A_342 = arith.index_cast %parallel_loop3A_341 : i32 to index
        %parallel_loop3A_343 = arith.index_cast %parallel_loop3A_226 : i32 to index
        %parallel_loop3A_344 = arith.constant 64 : index
        %parallel_loop3A_345 = tpu.vector_load %arg8[%parallel_loop3A_342, %parallel_loop3A_343, %parallel_loop3A_344] {strides = array<i32>} : memref<2x200x128xi32, #tpu.memory_space<vmem>>, vector<1x1x16xi32>,
        %parallel_loop3A_346 = vector.shape_cast %parallel_loop3A_345 : vector<1x1x16xi32> to vector<16xi32>
        %parallel_loop3A_347 = arith.constant 16 : i32
        %parallel_loop3A_348 = vector.broadcast %parallel_loop3A_347 : i32 to vector<16xi32>
        %parallel_loop3A_349 = arith.shli %parallel_loop3A_346, %parallel_loop3A_348 : vector<16xi32>
        %parallel_loop3A_350 = tpu.bitcast %parallel_loop3A_349 : vector<16xi32> -> vector<16xf32>
        %parallel_loop3A_351 = arith.andi %parallel_loop3A_346, %broadcast_in_dim3A_17 : vector<16xi32>
        %parallel_loop3A_352 = tpu.bitcast %parallel_loop3A_351 : vector<16xi32> -> vector<16xf32>
        %parallel_loop3A_353 = arith.constant 1 : i32
        %parallel_loop3A_354 = arith.index_cast %parallel_loop3A_353 : i32 to index
        %parallel_loop3A_355 = arith.index_cast %parallel_loop3A_226 : i32 to index
        %parallel_loop3A_356 = arith.constant 64 : index
        %parallel_loop3A_357 = tpu.vector_load %arg9[%parallel_loop3A_354, %parallel_loop3A_355, %parallel_loop3A_356] {strides = array<i32>} : memref<2x200x128xi32, #tpu.memory_space<vmem>>, vector<1x1x16xi32>,
        %parallel_loop3A_358 = vector.shape_cast %parallel_loop3A_357 : vector<1x1x16xi32> to vector<16xi32>
        %parallel_loop3A_359 = arith.constant 16 : i32
        %parallel_loop3A_360 = vector.broadcast %parallel_loop3A_359 : i32 to vector<16xi32>
        %parallel_loop3A_361 = arith.shli %parallel_loop3A_358, %parallel_loop3A_360 : vector<16xi32>
        %parallel_loop3A_362 = tpu.bitcast %parallel_loop3A_361 : vector<16xi32> -> vector<16xf32>
        %parallel_loop3A_363 = arith.andi %parallel_loop3A_358, %broadcast_in_dim3A_17 : vector<16xi32>
        %parallel_loop3A_364 = tpu.bitcast %parallel_loop3A_363 : vector<16xi32> -> vector<16xf32>
        %parallel_loop3A_365 = arith.subf %parallel_loop3A_350, %parallel_loop3A_362 : vector<16xf32>
        %parallel_loop3A_366 = arith.subf %parallel_loop3A_352, %parallel_loop3A_364 : vector<16xf32>
        %parallel_loop3A_367 = arith.mulf %parallel_loop3A_365, %parallel_loop3A_365 : vector<16xf32>
        %parallel_loop3A_368 = arith.addf %broadcast_in_dim3A_1, %parallel_loop3A_367 : vector<16xf32>
        %parallel_loop3A_369 = arith.mulf %parallel_loop3A_366, %parallel_loop3A_366 : vector<16xf32>
        %parallel_loop3A_370 = arith.addf %parallel_loop3A_368, %parallel_loop3A_369 : vector<16xf32>
        %parallel_loop3A_371 = arith.constant 1 : i32
        %parallel_loop3A_372 = arith.index_cast %parallel_loop3A_371 : i32 to index
        %parallel_loop3A_373 = arith.index_cast %parallel_loop3A_226 : i32 to index
        %parallel_loop3A_374 = arith.constant 80 : index
        %parallel_loop3A_375 = tpu.vector_load %arg8[%parallel_loop3A_372, %parallel_loop3A_373, %parallel_loop3A_374] {strides = array<i32>} : memref<2x200x128xi32, #tpu.memory_space<vmem>>, vector<1x1x16xi32>,
        %parallel_loop3A_376 = vector.shape_cast %parallel_loop3A_375 : vector<1x1x16xi32> to vector<16xi32>
        %parallel_loop3A_377 = arith.constant 16 : i32
        %parallel_loop3A_378 = vector.broadcast %parallel_loop3A_377 : i32 to vector<16xi32>
        %parallel_loop3A_379 = arith.shli %parallel_loop3A_376, %parallel_loop3A_378 : vector<16xi32>
        %parallel_loop3A_380 = tpu.bitcast %parallel_loop3A_379 : vector<16xi32> -> vector<16xf32>
        %parallel_loop3A_381 = arith.andi %parallel_loop3A_376, %broadcast_in_dim3A_17 : vector<16xi32>
        %parallel_loop3A_382 = tpu.bitcast %parallel_loop3A_381 : vector<16xi32> -> vector<16xf32>
        %parallel_loop3A_383 = arith.constant 1 : i32
        %parallel_loop3A_384 = arith.index_cast %parallel_loop3A_383 : i32 to index
        %parallel_loop3A_385 = arith.index_cast %parallel_loop3A_226 : i32 to index
        %parallel_loop3A_386 = arith.constant 80 : index
        %parallel_loop3A_387 = tpu.vector_load %arg9[%parallel_loop3A_384, %parallel_loop3A_385, %parallel_loop3A_386] {strides = array<i32>} : memref<2x200x128xi32, #tpu.memory_space<vmem>>, vector<1x1x16xi32>,
        %parallel_loop3A_388 = vector.shape_cast %parallel_loop3A_387 : vector<1x1x16xi32> to vector<16xi32>
        %parallel_loop3A_389 = arith.constant 16 : i32
        %parallel_loop3A_390 = vector.broadcast %parallel_loop3A_389 : i32 to vector<16xi32>
        %parallel_loop3A_391 = arith.shli %parallel_loop3A_388, %parallel_loop3A_390 : vector<16xi32>
        %parallel_loop3A_392 = tpu.bitcast %parallel_loop3A_391 : vector<16xi32> -> vector<16xf32>
        %parallel_loop3A_393 = arith.andi %parallel_loop3A_388, %broadcast_in_dim3A_17 : vector<16xi32>
        %parallel_loop3A_394 = tpu.bitcast %parallel_loop3A_393 : vector<16xi32> -> vector<16xf32>
        %parallel_loop3A_395 = arith.subf %parallel_loop3A_380, %parallel_loop3A_392 : vector<16xf32>
        %parallel_loop3A_396 = arith.subf %parallel_loop3A_382, %parallel_loop3A_394 : vector<16xf32>
        %parallel_loop3A_397 = arith.mulf %parallel_loop3A_395, %parallel_loop3A_395 : vector<16xf32>
        %parallel_loop3A_398 = arith.addf %parallel_loop3A_370, %parallel_loop3A_397 : vector<16xf32>
        %parallel_loop3A_399 = arith.mulf %parallel_loop3A_396, %parallel_loop3A_396 : vector<16xf32>
        %parallel_loop3A_400 = arith.addf %parallel_loop3A_398, %parallel_loop3A_399 : vector<16xf32>
        %parallel_loop3A_401 = arith.constant 1 : i32
        %parallel_loop3A_402 = arith.index_cast %parallel_loop3A_401 : i32 to index
        %parallel_loop3A_403 = arith.index_cast %parallel_loop3A_226 : i32 to index
        %parallel_loop3A_404 = arith.constant 96 : index
        %parallel_loop3A_405 = tpu.vector_load %arg8[%parallel_loop3A_402, %parallel_loop3A_403, %parallel_loop3A_404] {strides = array<i32>} : memref<2x200x128xi32, #tpu.memory_space<vmem>>, vector<1x1x16xi32>,
        %parallel_loop3A_406 = vector.shape_cast %parallel_loop3A_405 : vector<1x1x16xi32> to vector<16xi32>
        %parallel_loop3A_407 = arith.constant 16 : i32
        %parallel_loop3A_408 = vector.broadcast %parallel_loop3A_407 : i32 to vector<16xi32>
        %parallel_loop3A_409 = arith.shli %parallel_loop3A_406, %parallel_loop3A_408 : vector<16xi32>
        %parallel_loop3A_410 = tpu.bitcast %parallel_loop3A_409 : vector<16xi32> -> vector<16xf32>
        %parallel_loop3A_411 = arith.andi %parallel_loop3A_406, %broadcast_in_dim3A_17 : vector<16xi32>
        %parallel_loop3A_412 = tpu.bitcast %parallel_loop3A_411 : vector<16xi32> -> vector<16xf32>
        %parallel_loop3A_413 = arith.constant 1 : i32
        %parallel_loop3A_414 = arith.index_cast %parallel_loop3A_413 : i32 to index
        %parallel_loop3A_415 = arith.index_cast %parallel_loop3A_226 : i32 to index
        %parallel_loop3A_416 = arith.constant 96 : index
        %parallel_loop3A_417 = tpu.vector_load %arg9[%parallel_loop3A_414, %parallel_loop3A_415, %parallel_loop3A_416] {strides = array<i32>} : memref<2x200x128xi32, #tpu.memory_space<vmem>>, vector<1x1x16xi32>,
        %parallel_loop3A_418 = vector.shape_cast %parallel_loop3A_417 : vector<1x1x16xi32> to vector<16xi32>
        %parallel_loop3A_419 = arith.constant 16 : i32
        %parallel_loop3A_420 = vector.broadcast %parallel_loop3A_419 : i32 to vector<16xi32>
        %parallel_loop3A_421 = arith.shli %parallel_loop3A_418, %parallel_loop3A_420 : vector<16xi32>
        %parallel_loop3A_422 = tpu.bitcast %parallel_loop3A_421 : vector<16xi32> -> vector<16xf32>
        %parallel_loop3A_423 = arith.andi %parallel_loop3A_418, %broadcast_in_dim3A_17 : vector<16xi32>
        %parallel_loop3A_424 = tpu.bitcast %parallel_loop3A_423 : vector<16xi32> -> vector<16xf32>
        %parallel_loop3A_425 = arith.subf %parallel_loop3A_410, %parallel_loop3A_422 : vector<16xf32>
        %parallel_loop3A_426 = arith.subf %parallel_loop3A_412, %parallel_loop3A_424 : vector<16xf32>
        %parallel_loop3A_427 = arith.mulf %parallel_loop3A_425, %parallel_loop3A_425 : vector<16xf32>
        %parallel_loop3A_428 = arith.addf %parallel_loop3A_400, %parallel_loop3A_427 : vector<16xf32>
        %parallel_loop3A_429 = arith.mulf %parallel_loop3A_426, %parallel_loop3A_426 : vector<16xf32>
        %parallel_loop3A_430 = arith.addf %parallel_loop3A_428, %parallel_loop3A_429 : vector<16xf32>
        %parallel_loop3A_431 = arith.constant 1 : i32
        %parallel_loop3A_432 = arith.index_cast %parallel_loop3A_431 : i32 to index
        %parallel_loop3A_433 = arith.index_cast %parallel_loop3A_226 : i32 to index
        %parallel_loop3A_434 = arith.constant 112 : index
        %parallel_loop3A_435 = tpu.vector_load %arg8[%parallel_loop3A_432, %parallel_loop3A_433, %parallel_loop3A_434] {strides = array<i32>} : memref<2x200x128xi32, #tpu.memory_space<vmem>>, vector<1x1x16xi32>,
        %parallel_loop3A_436 = vector.shape_cast %parallel_loop3A_435 : vector<1x1x16xi32> to vector<16xi32>
        %parallel_loop3A_437 = arith.constant 16 : i32
        %parallel_loop3A_438 = vector.broadcast %parallel_loop3A_437 : i32 to vector<16xi32>
        %parallel_loop3A_439 = arith.shli %parallel_loop3A_436, %parallel_loop3A_438 : vector<16xi32>
        %parallel_loop3A_440 = tpu.bitcast %parallel_loop3A_439 : vector<16xi32> -> vector<16xf32>
        %parallel_loop3A_441 = arith.andi %parallel_loop3A_436, %broadcast_in_dim3A_17 : vector<16xi32>
        %parallel_loop3A_442 = tpu.bitcast %parallel_loop3A_441 : vector<16xi32> -> vector<16xf32>
        %parallel_loop3A_443 = arith.constant 1 : i32
        %parallel_loop3A_444 = arith.index_cast %parallel_loop3A_443 : i32 to index
        %parallel_loop3A_445 = arith.index_cast %parallel_loop3A_226 : i32 to index
        %parallel_loop3A_446 = arith.constant 112 : index
        %parallel_loop3A_447 = tpu.vector_load %arg9[%parallel_loop3A_444, %parallel_loop3A_445, %parallel_loop3A_446] {strides = array<i32>} : memref<2x200x128xi32, #tpu.memory_space<vmem>>, vector<1x1x16xi32>,
        %parallel_loop3A_448 = vector.shape_cast %parallel_loop3A_447 : vector<1x1x16xi32> to vector<16xi32>
        %parallel_loop3A_449 = arith.constant 16 : i32
        %parallel_loop3A_450 = vector.broadcast %parallel_loop3A_449 : i32 to vector<16xi32>
        %parallel_loop3A_451 = arith.shli %parallel_loop3A_448, %parallel_loop3A_450 : vector<16xi32>
        %parallel_loop3A_452 = tpu.bitcast %parallel_loop3A_451 : vector<16xi32> -> vector<16xf32>
        %parallel_loop3A_453 = arith.andi %parallel_loop3A_448, %broadcast_in_dim3A_17 : vector<16xi32>
        %parallel_loop3A_454 = tpu.bitcast %parallel_loop3A_453 : vector<16xi32> -> vector<16xf32>
        %parallel_loop3A_455 = arith.subf %parallel_loop3A_440, %parallel_loop3A_452 : vector<16xf32>
        %parallel_loop3A_456 = arith.subf %parallel_loop3A_442, %parallel_loop3A_454 : vector<16xf32>
        %parallel_loop3A_457 = arith.mulf %parallel_loop3A_455, %parallel_loop3A_455 : vector<16xf32>
        %parallel_loop3A_458 = arith.addf %parallel_loop3A_430, %parallel_loop3A_457 : vector<16xf32>
        %parallel_loop3A_459 = arith.mulf %parallel_loop3A_456, %parallel_loop3A_456 : vector<16xf32>
        %parallel_loop3A_460 = arith.addf %parallel_loop3A_458, %parallel_loop3A_459 : vector<16xf32>
        %parallel_loop3A_461 = vector.shape_cast %xor3A_3 : vector<16xi32> to vector<16x1xi32>
        %parallel_loop3A_462 = vector.shape_cast %parallel_loop3A_461 : vector<16x1xi32> to vector<16xi32>
        %parallel_loop3A_463 = tpu.dynamic_gather %parallel_loop3A_460[%parallel_loop3A_462] in [0] : vector<16xf32>, vector<16xi32> -> vector<16xf32>
        %parallel_loop3A_464 = arith.addf %parallel_loop3A_460, %parallel_loop3A_463 : vector<16xf32>
        %parallel_loop3A_465 = vector.shape_cast %xor3A_7 : vector<16xi32> to vector<16x1xi32>
        %parallel_loop3A_466 = vector.shape_cast %parallel_loop3A_465 : vector<16x1xi32> to vector<16xi32>
        %parallel_loop3A_467 = tpu.dynamic_gather %parallel_loop3A_464[%parallel_loop3A_466] in [0] : vector<16xf32>, vector<16xi32> -> vector<16xf32>
        %parallel_loop3A_468 = arith.addf %parallel_loop3A_464, %parallel_loop3A_467 : vector<16xf32>
        %parallel_loop3A_469 = vector.shape_cast %xor3A_11 : vector<16xi32> to vector<16x1xi32>
        %parallel_loop3A_470 = vector.shape_cast %parallel_loop3A_469 : vector<16x1xi32> to vector<16xi32>
        %parallel_loop3A_471 = tpu.dynamic_gather %parallel_loop3A_468[%parallel_loop3A_470] in [0] : vector<16xf32>, vector<16xi32> -> vector<16xf32>
        %parallel_loop3A_472 = arith.addf %parallel_loop3A_468, %parallel_loop3A_471 : vector<16xf32>
        %parallel_loop3A_473 = vector.shape_cast %xor3A_15 : vector<16xi32> to vector<16x1xi32>
        %parallel_loop3A_474 = vector.shape_cast %parallel_loop3A_473 : vector<16x1xi32> to vector<16xi32>
        %parallel_loop3A_475 = tpu.dynamic_gather %parallel_loop3A_472[%parallel_loop3A_474] in [0] : vector<16xf32>, vector<16xi32> -> vector<16xf32>
        %parallel_loop3A_476 = arith.addf %parallel_loop3A_472, %parallel_loop3A_475 : vector<16xf32>
        %parallel_loop3A_477 = arith.addf %parallel_loop3A_227, %parallel_loop3A_460 : vector<16xf32>
        %parallel_loop3A_478 = arith.mulf %parallel_loop3A_340, %parallel_loop3A_476 : vector<16xf32>
        %parallel_loop3A_479 = arith.addf %parallel_loop3A_228, %parallel_loop3A_478 : vector<16xf32>
        scf.yield %parallel_loop3A_477, %parallel_loop3A_479 : vector<16xf32>, vector<16xf32>
      } {sc.loop_unroll_factor = 2 : i64, sc.parallel_access}
      scf.yield %parallel_loop3A_225#0, %parallel_loop3A_225#1 : vector<16xf32>, vector<16xf32>
    }
    %scan3A_45 = arith.constant 24 : i32
    %dma_wait3A = arith.constant 0 : i32
    %dma_wait3A_46 = arith.constant 0 : i32
    %dma_wait3A_47 = arith.constant 0 : i32
    %dma_wait3A_48 = tpu.memref_slice %arg8[%dma_wait3A, %dma_wait3A_46, %dma_wait3A_47] : memref<2x200x128xi32, #tpu.memory_space<vmem>> -> memref<1x200x128xi32, #tpu.memory_space<vmem>>
    %dma_wait3A_49 = tpu.memref_squeeze %dma_wait3A_48 : memref<1x200x128xi32, #tpu.memory_space<vmem>> -> memref<200x128xi32, #tpu.memory_space<vmem>>
    %dma_wait3A_50 = arith.constant 0 : i32
    %dma_wait3A_51 = tpu.memref_slice %arg6[%dma_wait3A_50] : memref<10000xi32, #tpu.memory_space<vmem>> -> memref<200xi32, #tpu.memory_space<vmem>>
    %dma_wait3A_52 = arith.constant 0 : i32
    %dma_wait3A_53 = arith.constant 0 : i32
    %dma_wait3A_54 = tpu.memref_slice %arg2[%dma_wait3A_52, %dma_wait3A_53] : memref<10000x128xi32, #tpu.memory_space<hbm>> -> memref<10000x128xi32, #tpu.memory_space<hbm>>
    tpu.wait_indirect_dma semaphore(%arg11 : memref<!tpu.dma_semaphore, #tpu.memory_space<semaphore_mem>>) src(%dma_wait3A_54 : memref<10000x128xi32, #tpu.memory_space<hbm>>) dst(%dma_wait3A_49 : memref<200x128xi32, #tpu.memory_space<vmem>>)
    %dma_wait3A_55 = arith.constant 0 : i32
    %dma_wait3A_56 = arith.constant 0 : i32
    %dma_wait3A_57 = arith.constant 0 : i32
    %dma_wait3A_58 = tpu.memref_slice %arg9[%dma_wait3A_55, %dma_wait3A_56, %dma_wait3A_57] : memref<2x200x128xi32, #tpu.memory_space<vmem>> -> memref<1x200x128xi32, #tpu.memory_space<vmem>>
    %dma_wait3A_59 = tpu.memref_squeeze %dma_wait3A_58 : memref<1x200x128xi32, #tpu.memory_space<vmem>> -> memref<200x128xi32, #tpu.memory_space<vmem>>
    %dma_wait3A_60 = arith.constant 0 : i32
    %dma_wait3A_61 = tpu.memref_slice %arg7[%dma_wait3A_60] : memref<10000xi32, #tpu.memory_space<vmem>> -> memref<200xi32, #tpu.memory_space<vmem>>
    %dma_wait3A_62 = arith.constant 0 : i32
    %dma_wait3A_63 = arith.constant 0 : i32
    %dma_wait3A_64 = tpu.memref_slice %arg2[%dma_wait3A_62, %dma_wait3A_63] : memref<10000x128xi32, #tpu.memory_space<hbm>> -> memref<10000x128xi32, #tpu.memory_space<hbm>>
    tpu.wait_indirect_dma semaphore(%arg13 : memref<!tpu.dma_semaphore, #tpu.memory_space<semaphore_mem>>) src(%dma_wait3A_64 : memref<10000x128xi32, #tpu.memory_space<hbm>>) dst(%dma_wait3A_59 : memref<200x128xi32, #tpu.memory_space<vmem>>)
    %dma_start3A_65 = arith.constant 1 : i32
    %dma_start3A_66 = arith.constant 0 : i32
    %dma_start3A_67 = arith.constant 0 : i32
    %dma_start3A_68 = tpu.memref_slice %arg8[%dma_start3A_65, %dma_start3A_66, %dma_start3A_67] : memref<2x200x128xi32, #tpu.memory_space<vmem>> -> memref<1x200x128xi32, #tpu.memory_space<vmem>>
    %dma_start3A_69 = tpu.memref_squeeze %dma_start3A_68 : memref<1x200x128xi32, #tpu.memory_space<vmem>> -> memref<200x128xi32, #tpu.memory_space<vmem>>
    %dma_start3A_70 = arith.constant 9800 : i32
    %dma_start3A_71 = tpu.memref_slice %arg6[%dma_start3A_70] : memref<10000xi32, #tpu.memory_space<vmem>> -> memref<200xi32, #tpu.memory_space<vmem>>
    %dma_start3A_72 = arith.constant 0 : i32
    %dma_start3A_73 = arith.constant 0 : i32
    %dma_start3A_74 = tpu.memref_slice %arg2[%dma_start3A_72, %dma_start3A_73] : memref<10000x128xi32, #tpu.memory_space<hbm>> -> memref<10000x128xi32, #tpu.memory_space<hbm>>
    tpu.enqueue_indirect_dma source(%dma_start3A_74 : memref<10000x128xi32, #tpu.memory_space<hbm>>) target(%dma_start3A_69 : memref<200x128xi32, #tpu.memory_space<vmem>>) offsets(%dma_start3A_71 : memref<200xi32, #tpu.memory_space<vmem>>) semaphore(%arg12 : memref<!tpu.dma_semaphore, #tpu.memory_space<semaphore_mem>>)
    %dma_start3A_75 = arith.constant 1 : i32
    %dma_start3A_76 = arith.constant 0 : i32
    %dma_start3A_77 = arith.constant 0 : i32
    %dma_start3A_78 = tpu.memref_slice %arg9[%dma_start3A_75, %dma_start3A_76, %dma_start3A_77] : memref<2x200x128xi32, #tpu.memory_space<vmem>> -> memref<1x200x128xi32, #tpu.memory_space<vmem>>
    %dma_start3A_79 = tpu.memref_squeeze %dma_start3A_78 : memref<1x200x128xi32, #tpu.memory_space<vmem>> -> memref<200x128xi32, #tpu.memory_space<vmem>>
    %dma_start3A_80 = arith.constant 9800 : i32
    %dma_start3A_81 = tpu.memref_slice %arg7[%dma_start3A_80] : memref<10000xi32, #tpu.memory_space<vmem>> -> memref<200xi32, #tpu.memory_space<vmem>>
    %dma_start3A_82 = arith.constant 0 : i32
    %dma_start3A_83 = arith.constant 0 : i32
    %dma_start3A_84 = tpu.memref_slice %arg2[%dma_start3A_82, %dma_start3A_83] : memref<10000x128xi32, #tpu.memory_space<hbm>> -> memref<10000x128xi32, #tpu.memory_space<hbm>>
    tpu.enqueue_indirect_dma source(%dma_start3A_84 : memref<10000x128xi32, #tpu.memory_space<hbm>>) target(%dma_start3A_79 : memref<200x128xi32, #tpu.memory_space<vmem>>) offsets(%dma_start3A_81 : memref<200xi32, #tpu.memory_space<vmem>>) semaphore(%arg14 : memref<!tpu.dma_semaphore, #tpu.memory_space<semaphore_mem>>)
    %parallel_loop3A = arith.constant 0 : i32
    %parallel_loop3A_85 = arith.constant 200 : i32
    %parallel_loop3A_86 = arith.constant 1 : i32
    %parallel_loop3A_87:2 = scf.for %parallel_loop3A_115 = %parallel_loop3A to %parallel_loop3A_85 step %parallel_loop3A_86 iter_args(%parallel_loop3A_116 = %scan3A_44#0, %parallel_loop3A_117 = %scan3A_44#1) -> (vector<16xf32>, vector<16xf32>)  : i32 {
      %parallel_loop3A_118 = arith.constant 0 : i32
      %parallel_loop3A_119 = arith.index_cast %parallel_loop3A_118 : i32 to index
      %parallel_loop3A_120 = arith.index_cast %parallel_loop3A_115 : i32 to index
      %parallel_loop3A_121 = arith.constant 0 : index
      %parallel_loop3A_122 = tpu.vector_load %arg8[%parallel_loop3A_119, %parallel_loop3A_120, %parallel_loop3A_121] {strides = array<i32>} : memref<2x200x128xi32, #tpu.memory_space<vmem>>, vector<1x1x16xi32>,
      %parallel_loop3A_123 = vector.shape_cast %parallel_loop3A_122 : vector<1x1x16xi32> to vector<16xi32>
      %parallel_loop3A_124 = arith.constant 16 : i32
      %parallel_loop3A_125 = vector.broadcast %parallel_loop3A_124 : i32 to vector<16xi32>
      %parallel_loop3A_126 = arith.shli %parallel_loop3A_123, %parallel_loop3A_125 : vector<16xi32>
      %parallel_loop3A_127 = tpu.bitcast %parallel_loop3A_126 : vector<16xi32> -> vector<16xf32>
      %parallel_loop3A_128 = arith.andi %parallel_loop3A_123, %broadcast_in_dim3A_17 : vector<16xi32>
      %parallel_loop3A_129 = tpu.bitcast %parallel_loop3A_128 : vector<16xi32> -> vector<16xf32>
      %parallel_loop3A_130 = arith.constant 0 : i32
      %parallel_loop3A_131 = arith.index_cast %parallel_loop3A_130 : i32 to index
      %parallel_loop3A_132 = arith.index_cast %parallel_loop3A_115 : i32 to index
      %parallel_loop3A_133 = arith.constant 0 : index
      %parallel_loop3A_134 = tpu.vector_load %arg9[%parallel_loop3A_131, %parallel_loop3A_132, %parallel_loop3A_133] {strides = array<i32>} : memref<2x200x128xi32, #tpu.memory_space<vmem>>, vector<1x1x16xi32>,
      %parallel_loop3A_135 = vector.shape_cast %parallel_loop3A_134 : vector<1x1x16xi32> to vector<16xi32>
      %parallel_loop3A_136 = arith.constant 16 : i32
      %parallel_loop3A_137 = vector.broadcast %parallel_loop3A_136 : i32 to vector<16xi32>
      %parallel_loop3A_138 = arith.shli %parallel_loop3A_135, %parallel_loop3A_137 : vector<16xi32>
      %parallel_loop3A_139 = tpu.bitcast %parallel_loop3A_138 : vector<16xi32> -> vector<16xf32>
      %parallel_loop3A_140 = arith.andi %parallel_loop3A_135, %broadcast_in_dim3A_17 : vector<16xi32>
      %parallel_loop3A_141 = tpu.bitcast %parallel_loop3A_140 : vector<16xi32> -> vector<16xf32>
      %parallel_loop3A_142 = arith.mulf %parallel_loop3A_127, %parallel_loop3A_139 : vector<16xf32>
      %parallel_loop3A_143 = arith.addf %broadcast_in_dim3A_1, %parallel_loop3A_142 : vector<16xf32>
      %parallel_loop3A_144 = arith.mulf %parallel_loop3A_129, %parallel_loop3A_141 : vector<16xf32>
      %parallel_loop3A_145 = arith.addf %parallel_loop3A_143, %parallel_loop3A_144 : vector<16xf32>
      %parallel_loop3A_146 = arith.constant 0 : i32
      %parallel_loop3A_147 = arith.index_cast %parallel_loop3A_146 : i32 to index
      %parallel_loop3A_148 = arith.index_cast %parallel_loop3A_115 : i32 to index
      %parallel_loop3A_149 = arith.constant 16 : index
      %parallel_loop3A_150 = tpu.vector_load %arg8[%parallel_loop3A_147, %parallel_loop3A_148, %parallel_loop3A_149] {strides = array<i32>} : memref<2x200x128xi32, #tpu.memory_space<vmem>>, vector<1x1x16xi32>,
      %parallel_loop3A_151 = vector.shape_cast %parallel_loop3A_150 : vector<1x1x16xi32> to vector<16xi32>
      %parallel_loop3A_152 = arith.constant 16 : i32
      %parallel_loop3A_153 = vector.broadcast %parallel_loop3A_152 : i32 to vector<16xi32>
      %parallel_loop3A_154 = arith.shli %parallel_loop3A_151, %parallel_loop3A_153 : vector<16xi32>
      %parallel_loop3A_155 = tpu.bitcast %parallel_loop3A_154 : vector<16xi32> -> vector<16xf32>
      %parallel_loop3A_156 = arith.andi %parallel_loop3A_151, %broadcast_in_dim3A_17 : vector<16xi32>
      %parallel_loop3A_157 = tpu.bitcast %parallel_loop3A_156 : vector<16xi32> -> vector<16xf32>
      %parallel_loop3A_158 = arith.constant 0 : i32
      %parallel_loop3A_159 = arith.index_cast %parallel_loop3A_158 : i32 to index
      %parallel_loop3A_160 = arith.index_cast %parallel_loop3A_115 : i32 to index
      %parallel_loop3A_161 = arith.constant 16 : index
      %parallel_loop3A_162 = tpu.vector_load %arg9[%parallel_loop3A_159, %parallel_loop3A_160, %parallel_loop3A_161] {strides = array<i32>} : memref<2x200x128xi32, #tpu.memory_space<vmem>>, vector<1x1x16xi32>,
      %parallel_loop3A_163 = vector.shape_cast %parallel_loop3A_162 : vector<1x1x16xi32> to vector<16xi32>
      %parallel_loop3A_164 = arith.constant 16 : i32
      %parallel_loop3A_165 = vector.broadcast %parallel_loop3A_164 : i32 to vector<16xi32>
      %parallel_loop3A_166 = arith.shli %parallel_loop3A_163, %parallel_loop3A_165 : vector<16xi32>
      %parallel_loop3A_167 = tpu.bitcast %parallel_loop3A_166 : vector<16xi32> -> vector<16xf32>
      %parallel_loop3A_168 = arith.andi %parallel_loop3A_163, %broadcast_in_dim3A_17 : vector<16xi32>
      %parallel_loop3A_169 = tpu.bitcast %parallel_loop3A_168 : vector<16xi32> -> vector<16xf32>
      %parallel_loop3A_170 = arith.mulf %parallel_loop3A_155, %parallel_loop3A_167 : vector<16xf32>
      %parallel_loop3A_171 = arith.addf %parallel_loop3A_145, %parallel_loop3A_170 : vector<16xf32>
      %parallel_loop3A_172 = arith.mulf %parallel_loop3A_157, %parallel_loop3A_169 : vector<16xf32>
      %parallel_loop3A_173 = arith.addf %parallel_loop3A_171, %parallel_loop3A_172 : vector<16xf32>
      %parallel_loop3A_174 = arith.constant 0 : i32
      %parallel_loop3A_175 = arith.index_cast %parallel_loop3A_174 : i32 to index
      %parallel_loop3A_176 = arith.index_cast %parallel_loop3A_115 : i32 to index
      %parallel_loop3A_177 = arith.constant 32 : index
      %parallel_loop3A_178 = tpu.vector_load %arg8[%parallel_loop3A_175, %parallel_loop3A_176, %parallel_loop3A_177] {strides = array<i32>} : memref<2x200x128xi32, #tpu.memory_space<vmem>>, vector<1x1x16xi32>,
      %parallel_loop3A_179 = vector.shape_cast %parallel_loop3A_178 : vector<1x1x16xi32> to vector<16xi32>
      %parallel_loop3A_180 = arith.constant 16 : i32
      %parallel_loop3A_181 = vector.broadcast %parallel_loop3A_180 : i32 to vector<16xi32>
      %parallel_loop3A_182 = arith.shli %parallel_loop3A_179, %parallel_loop3A_181 : vector<16xi32>
      %parallel_loop3A_183 = tpu.bitcast %parallel_loop3A_182 : vector<16xi32> -> vector<16xf32>
      %parallel_loop3A_184 = arith.andi %parallel_loop3A_179, %broadcast_in_dim3A_17 : vector<16xi32>
      %parallel_loop3A_185 = tpu.bitcast %parallel_loop3A_184 : vector<16xi32> -> vector<16xf32>
      %parallel_loop3A_186 = arith.constant 0 : i32
      %parallel_loop3A_187 = arith.index_cast %parallel_loop3A_186 : i32 to index
      %parallel_loop3A_188 = arith.index_cast %parallel_loop3A_115 : i32 to index
      %parallel_loop3A_189 = arith.constant 32 : index
      %parallel_loop3A_190 = tpu.vector_load %arg9[%parallel_loop3A_187, %parallel_loop3A_188, %parallel_loop3A_189] {strides = array<i32>} : memref<2x200x128xi32, #tpu.memory_space<vmem>>, vector<1x1x16xi32>,
      %parallel_loop3A_191 = vector.shape_cast %parallel_loop3A_190 : vector<1x1x16xi32> to vector<16xi32>
      %parallel_loop3A_192 = arith.constant 16 : i32
      %parallel_loop3A_193 = vector.broadcast %parallel_loop3A_192 : i32 to vector<16xi32>
      %parallel_loop3A_194 = arith.shli %parallel_loop3A_191, %parallel_loop3A_193 : vector<16xi32>
      %parallel_loop3A_195 = tpu.bitcast %parallel_loop3A_194 : vector<16xi32> -> vector<16xf32>
      %parallel_loop3A_196 = arith.andi %parallel_loop3A_191, %broadcast_in_dim3A_17 : vector<16xi32>
      %parallel_loop3A_197 = tpu.bitcast %parallel_loop3A_196 : vector<16xi32> -> vector<16xf32>
      %parallel_loop3A_198 = arith.mulf %parallel_loop3A_183, %parallel_loop3A_195 : vector<16xf32>
      %parallel_loop3A_199 = arith.addf %parallel_loop3A_173, %parallel_loop3A_198 : vector<16xf32>
      %parallel_loop3A_200 = arith.mulf %parallel_loop3A_185, %parallel_loop3A_197 : vector<16xf32>
      %parallel_loop3A_201 = arith.addf %parallel_loop3A_199, %parallel_loop3A_200 : vector<16xf32>
      %parallel_loop3A_202 = arith.constant 0 : i32
      %parallel_loop3A_203 = arith.index_cast %parallel_loop3A_202 : i32 to index
      %parallel_loop3A_204 = arith.index_cast %parallel_loop3A_115 : i32 to index
      %parallel_loop3A_205 = arith.constant 48 : index
      %parallel_loop3A_206 = tpu.vector_load %arg8[%parallel_loop3A_203, %parallel_loop3A_204, %parallel_loop3A_205] {strides = array<i32>} : memref<2x200x128xi32, #tpu.memory_space<vmem>>, vector<1x1x16xi32>,
      %parallel_loop3A_207 = vector.shape_cast %parallel_loop3A_206 : vector<1x1x16xi32> to vector<16xi32>
      %parallel_loop3A_208 = arith.constant 16 : i32
      %parallel_loop3A_209 = vector.broadcast %parallel_loop3A_208 : i32 to vector<16xi32>
      %parallel_loop3A_210 = arith.shli %parallel_loop3A_207, %parallel_loop3A_209 : vector<16xi32>
      %parallel_loop3A_211 = tpu.bitcast %parallel_loop3A_210 : vector<16xi32> -> vector<16xf32>
      %parallel_loop3A_212 = arith.andi %parallel_loop3A_207, %broadcast_in_dim3A_17 : vector<16xi32>
      %parallel_loop3A_213 = tpu.bitcast %parallel_loop3A_212 : vector<16xi32> -> vector<16xf32>
      %parallel_loop3A_214 = arith.constant 0 : i32
      %parallel_loop3A_215 = arith.index_cast %parallel_loop3A_214 : i32 to index
      %parallel_loop3A_216 = arith.index_cast %parallel_loop3A_115 : i32 to index
      %parallel_loop3A_217 = arith.constant 48 : index
      %parallel_loop3A_218 = tpu.vector_load %arg9[%parallel_loop3A_215, %parallel_loop3A_216, %parallel_loop3A_217] {strides = array<i32>} : memref<2x200x128xi32, #tpu.memory_space<vmem>>, vector<1x1x16xi32>,
      %parallel_loop3A_219 = vector.shape_cast %parallel_loop3A_218 : vector<1x1x16xi32> to vector<16xi32>
      %parallel_loop3A_220 = arith.constant 16 : i32
      %parallel_loop3A_221 = vector.broadcast %parallel_loop3A_220 : i32 to vector<16xi32>
      %parallel_loop3A_222 = arith.shli %parallel_loop3A_219, %parallel_loop3A_221 : vector<16xi32>
      %parallel_loop3A_223 = tpu.bitcast %parallel_loop3A_222 : vector<16xi32> -> vector<16xf32>
      %parallel_loop3A_224 = arith.andi %parallel_loop3A_219, %broadcast_in_dim3A_17 : vector<16xi32>
      %parallel_loop3A_225 = tpu.bitcast %parallel_loop3A_224 : vector<16xi32> -> vector<16xf32>
      %parallel_loop3A_226 = arith.mulf %parallel_loop3A_211, %parallel_loop3A_223 : vector<16xf32>
      %parallel_loop3A_227 = arith.addf %parallel_loop3A_201, %parallel_loop3A_226 : vector<16xf32>
      %parallel_loop3A_228 = arith.mulf %parallel_loop3A_213, %parallel_loop3A_225 : vector<16xf32>
      %parallel_loop3A_229 = arith.addf %parallel_loop3A_227, %parallel_loop3A_228 : vector<16xf32>
      %parallel_loop3A_230 = arith.constant 0 : i32
      %parallel_loop3A_231 = arith.index_cast %parallel_loop3A_230 : i32 to index
      %parallel_loop3A_232 = arith.index_cast %parallel_loop3A_115 : i32 to index
      %parallel_loop3A_233 = arith.constant 64 : index
      %parallel_loop3A_234 = tpu.vector_load %arg8[%parallel_loop3A_231, %parallel_loop3A_232, %parallel_loop3A_233] {strides = array<i32>} : memref<2x200x128xi32, #tpu.memory_space<vmem>>, vector<1x1x16xi32>,
      %parallel_loop3A_235 = vector.shape_cast %parallel_loop3A_234 : vector<1x1x16xi32> to vector<16xi32>
      %parallel_loop3A_236 = arith.constant 16 : i32
      %parallel_loop3A_237 = vector.broadcast %parallel_loop3A_236 : i32 to vector<16xi32>
      %parallel_loop3A_238 = arith.shli %parallel_loop3A_235, %parallel_loop3A_237 : vector<16xi32>
      %parallel_loop3A_239 = tpu.bitcast %parallel_loop3A_238 : vector<16xi32> -> vector<16xf32>
      %parallel_loop3A_240 = arith.andi %parallel_loop3A_235, %broadcast_in_dim3A_17 : vector<16xi32>
      %parallel_loop3A_241 = tpu.bitcast %parallel_loop3A_240 : vector<16xi32> -> vector<16xf32>
      %parallel_loop3A_242 = arith.constant 0 : i32
      %parallel_loop3A_243 = arith.index_cast %parallel_loop3A_242 : i32 to index
      %parallel_loop3A_244 = arith.index_cast %parallel_loop3A_115 : i32 to index
      %parallel_loop3A_245 = arith.constant 64 : index
      %parallel_loop3A_246 = tpu.vector_load %arg9[%parallel_loop3A_243, %parallel_loop3A_244, %parallel_loop3A_245] {strides = array<i32>} : memref<2x200x128xi32, #tpu.memory_space<vmem>>, vector<1x1x16xi32>,
      %parallel_loop3A_247 = vector.shape_cast %parallel_loop3A_246 : vector<1x1x16xi32> to vector<16xi32>
      %parallel_loop3A_248 = arith.constant 16 : i32
      %parallel_loop3A_249 = vector.broadcast %parallel_loop3A_248 : i32 to vector<16xi32>
      %parallel_loop3A_250 = arith.shli %parallel_loop3A_247, %parallel_loop3A_249 : vector<16xi32>
      %parallel_loop3A_251 = tpu.bitcast %parallel_loop3A_250 : vector<16xi32> -> vector<16xf32>
      %parallel_loop3A_252 = arith.andi %parallel_loop3A_247, %broadcast_in_dim3A_17 : vector<16xi32>
      %parallel_loop3A_253 = tpu.bitcast %parallel_loop3A_252 : vector<16xi32> -> vector<16xf32>
      %parallel_loop3A_254 = arith.subf %parallel_loop3A_239, %parallel_loop3A_251 : vector<16xf32>
      %parallel_loop3A_255 = arith.subf %parallel_loop3A_241, %parallel_loop3A_253 : vector<16xf32>
      %parallel_loop3A_256 = arith.mulf %parallel_loop3A_254, %parallel_loop3A_254 : vector<16xf32>
      %parallel_loop3A_257 = arith.addf %broadcast_in_dim3A_1, %parallel_loop3A_256 : vector<16xf32>
      %parallel_loop3A_258 = arith.mulf %parallel_loop3A_255, %parallel_loop3A_255 : vector<16xf32>
      %parallel_loop3A_259 = arith.addf %parallel_loop3A_257, %parallel_loop3A_258 : vector<16xf32>
      %parallel_loop3A_260 = arith.constant 0 : i32
      %parallel_loop3A_261 = arith.index_cast %parallel_loop3A_260 : i32 to index
      %parallel_loop3A_262 = arith.index_cast %parallel_loop3A_115 : i32 to index
      %parallel_loop3A_263 = arith.constant 80 : index
      %parallel_loop3A_264 = tpu.vector_load %arg8[%parallel_loop3A_261, %parallel_loop3A_262, %parallel_loop3A_263] {strides = array<i32>} : memref<2x200x128xi32, #tpu.memory_space<vmem>>, vector<1x1x16xi32>,
      %parallel_loop3A_265 = vector.shape_cast %parallel_loop3A_264 : vector<1x1x16xi32> to vector<16xi32>
      %parallel_loop3A_266 = arith.constant 16 : i32
      %parallel_loop3A_267 = vector.broadcast %parallel_loop3A_266 : i32 to vector<16xi32>
      %parallel_loop3A_268 = arith.shli %parallel_loop3A_265, %parallel_loop3A_267 : vector<16xi32>
      %parallel_loop3A_269 = tpu.bitcast %parallel_loop3A_268 : vector<16xi32> -> vector<16xf32>
      %parallel_loop3A_270 = arith.andi %parallel_loop3A_265, %broadcast_in_dim3A_17 : vector<16xi32>
      %parallel_loop3A_271 = tpu.bitcast %parallel_loop3A_270 : vector<16xi32> -> vector<16xf32>
      %parallel_loop3A_272 = arith.constant 0 : i32
      %parallel_loop3A_273 = arith.index_cast %parallel_loop3A_272 : i32 to index
      %parallel_loop3A_274 = arith.index_cast %parallel_loop3A_115 : i32 to index
      %parallel_loop3A_275 = arith.constant 80 : index
      %parallel_loop3A_276 = tpu.vector_load %arg9[%parallel_loop3A_273, %parallel_loop3A_274, %parallel_loop3A_275] {strides = array<i32>} : memref<2x200x128xi32, #tpu.memory_space<vmem>>, vector<1x1x16xi32>,
      %parallel_loop3A_277 = vector.shape_cast %parallel_loop3A_276 : vector<1x1x16xi32> to vector<16xi32>
      %parallel_loop3A_278 = arith.constant 16 : i32
      %parallel_loop3A_279 = vector.broadcast %parallel_loop3A_278 : i32 to vector<16xi32>
      %parallel_loop3A_280 = arith.shli %parallel_loop3A_277, %parallel_loop3A_279 : vector<16xi32>
      %parallel_loop3A_281 = tpu.bitcast %parallel_loop3A_280 : vector<16xi32> -> vector<16xf32>
      %parallel_loop3A_282 = arith.andi %parallel_loop3A_277, %broadcast_in_dim3A_17 : vector<16xi32>
      %parallel_loop3A_283 = tpu.bitcast %parallel_loop3A_282 : vector<16xi32> -> vector<16xf32>
      %parallel_loop3A_284 = arith.subf %parallel_loop3A_269, %parallel_loop3A_281 : vector<16xf32>
      %parallel_loop3A_285 = arith.subf %parallel_loop3A_271, %parallel_loop3A_283 : vector<16xf32>
      %parallel_loop3A_286 = arith.mulf %parallel_loop3A_284, %parallel_loop3A_284 : vector<16xf32>
      %parallel_loop3A_287 = arith.addf %parallel_loop3A_259, %parallel_loop3A_286 : vector<16xf32>
      %parallel_loop3A_288 = arith.mulf %parallel_loop3A_285, %parallel_loop3A_285 : vector<16xf32>
      %parallel_loop3A_289 = arith.addf %parallel_loop3A_287, %parallel_loop3A_288 : vector<16xf32>
      %parallel_loop3A_290 = arith.constant 0 : i32
      %parallel_loop3A_291 = arith.index_cast %parallel_loop3A_290 : i32 to index
      %parallel_loop3A_292 = arith.index_cast %parallel_loop3A_115 : i32 to index
      %parallel_loop3A_293 = arith.constant 96 : index
      %parallel_loop3A_294 = tpu.vector_load %arg8[%parallel_loop3A_291, %parallel_loop3A_292, %parallel_loop3A_293] {strides = array<i32>} : memref<2x200x128xi32, #tpu.memory_space<vmem>>, vector<1x1x16xi32>,
      %parallel_loop3A_295 = vector.shape_cast %parallel_loop3A_294 : vector<1x1x16xi32> to vector<16xi32>
      %parallel_loop3A_296 = arith.constant 16 : i32
      %parallel_loop3A_297 = vector.broadcast %parallel_loop3A_296 : i32 to vector<16xi32>
      %parallel_loop3A_298 = arith.shli %parallel_loop3A_295, %parallel_loop3A_297 : vector<16xi32>
      %parallel_loop3A_299 = tpu.bitcast %parallel_loop3A_298 : vector<16xi32> -> vector<16xf32>
      %parallel_loop3A_300 = arith.andi %parallel_loop3A_295, %broadcast_in_dim3A_17 : vector<16xi32>
      %parallel_loop3A_301 = tpu.bitcast %parallel_loop3A_300 : vector<16xi32> -> vector<16xf32>
      %parallel_loop3A_302 = arith.constant 0 : i32
      %parallel_loop3A_303 = arith.index_cast %parallel_loop3A_302 : i32 to index
      %parallel_loop3A_304 = arith.index_cast %parallel_loop3A_115 : i32 to index
      %parallel_loop3A_305 = arith.constant 96 : index
      %parallel_loop3A_306 = tpu.vector_load %arg9[%parallel_loop3A_303, %parallel_loop3A_304, %parallel_loop3A_305] {strides = array<i32>} : memref<2x200x128xi32, #tpu.memory_space<vmem>>, vector<1x1x16xi32>,
      %parallel_loop3A_307 = vector.shape_cast %parallel_loop3A_306 : vector<1x1x16xi32> to vector<16xi32>
      %parallel_loop3A_308 = arith.constant 16 : i32
      %parallel_loop3A_309 = vector.broadcast %parallel_loop3A_308 : i32 to vector<16xi32>
      %parallel_loop3A_310 = arith.shli %parallel_loop3A_307, %parallel_loop3A_309 : vector<16xi32>
      %parallel_loop3A_311 = tpu.bitcast %parallel_loop3A_310 : vector<16xi32> -> vector<16xf32>
      %parallel_loop3A_312 = arith.andi %parallel_loop3A_307, %broadcast_in_dim3A_17 : vector<16xi32>
      %parallel_loop3A_313 = tpu.bitcast %parallel_loop3A_312 : vector<16xi32> -> vector<16xf32>
      %parallel_loop3A_314 = arith.subf %parallel_loop3A_299, %parallel_loop3A_311 : vector<16xf32>
      %parallel_loop3A_315 = arith.subf %parallel_loop3A_301, %parallel_loop3A_313 : vector<16xf32>
      %parallel_loop3A_316 = arith.mulf %parallel_loop3A_314, %parallel_loop3A_314 : vector<16xf32>
      %parallel_loop3A_317 = arith.addf %parallel_loop3A_289, %parallel_loop3A_316 : vector<16xf32>
      %parallel_loop3A_318 = arith.mulf %parallel_loop3A_315, %parallel_loop3A_315 : vector<16xf32>
      %parallel_loop3A_319 = arith.addf %parallel_loop3A_317, %parallel_loop3A_318 : vector<16xf32>
      %parallel_loop3A_320 = arith.constant 0 : i32
      %parallel_loop3A_321 = arith.index_cast %parallel_loop3A_320 : i32 to index
      %parallel_loop3A_322 = arith.index_cast %parallel_loop3A_115 : i32 to index
      %parallel_loop3A_323 = arith.constant 112 : index
      %parallel_loop3A_324 = tpu.vector_load %arg8[%parallel_loop3A_321, %parallel_loop3A_322, %parallel_loop3A_323] {strides = array<i32>} : memref<2x200x128xi32, #tpu.memory_space<vmem>>, vector<1x1x16xi32>,
      %parallel_loop3A_325 = vector.shape_cast %parallel_loop3A_324 : vector<1x1x16xi32> to vector<16xi32>
      %parallel_loop3A_326 = arith.constant 16 : i32
      %parallel_loop3A_327 = vector.broadcast %parallel_loop3A_326 : i32 to vector<16xi32>
      %parallel_loop3A_328 = arith.shli %parallel_loop3A_325, %parallel_loop3A_327 : vector<16xi32>
      %parallel_loop3A_329 = tpu.bitcast %parallel_loop3A_328 : vector<16xi32> -> vector<16xf32>
      %parallel_loop3A_330 = arith.andi %parallel_loop3A_325, %broadcast_in_dim3A_17 : vector<16xi32>
      %parallel_loop3A_331 = tpu.bitcast %parallel_loop3A_330 : vector<16xi32> -> vector<16xf32>
      %parallel_loop3A_332 = arith.constant 0 : i32
      %parallel_loop3A_333 = arith.index_cast %parallel_loop3A_332 : i32 to index
      %parallel_loop3A_334 = arith.index_cast %parallel_loop3A_115 : i32 to index
      %parallel_loop3A_335 = arith.constant 112 : index
      %parallel_loop3A_336 = tpu.vector_load %arg9[%parallel_loop3A_333, %parallel_loop3A_334, %parallel_loop3A_335] {strides = array<i32>} : memref<2x200x128xi32, #tpu.memory_space<vmem>>, vector<1x1x16xi32>,
      %parallel_loop3A_337 = vector.shape_cast %parallel_loop3A_336 : vector<1x1x16xi32> to vector<16xi32>
      %parallel_loop3A_338 = arith.constant 16 : i32
      %parallel_loop3A_339 = vector.broadcast %parallel_loop3A_338 : i32 to vector<16xi32>
      %parallel_loop3A_340 = arith.shli %parallel_loop3A_337, %parallel_loop3A_339 : vector<16xi32>
      %parallel_loop3A_341 = tpu.bitcast %parallel_loop3A_340 : vector<16xi32> -> vector<16xf32>
      %parallel_loop3A_342 = arith.andi %parallel_loop3A_337, %broadcast_in_dim3A_17 : vector<16xi32>
      %parallel_loop3A_343 = tpu.bitcast %parallel_loop3A_342 : vector<16xi32> -> vector<16xf32>
      %parallel_loop3A_344 = arith.subf %parallel_loop3A_329, %parallel_loop3A_341 : vector<16xf32>
      %parallel_loop3A_345 = arith.subf %parallel_loop3A_331, %parallel_loop3A_343 : vector<16xf32>
      %parallel_loop3A_346 = arith.mulf %parallel_loop3A_344, %parallel_loop3A_344 : vector<16xf32>
      %parallel_loop3A_347 = arith.addf %parallel_loop3A_319, %parallel_loop3A_346 : vector<16xf32>
      %parallel_loop3A_348 = arith.mulf %parallel_loop3A_345, %parallel_loop3A_345 : vector<16xf32>
      %parallel_loop3A_349 = arith.addf %parallel_loop3A_347, %parallel_loop3A_348 : vector<16xf32>
      %parallel_loop3A_350 = vector.shape_cast %xor3A_3 : vector<16xi32> to vector<16x1xi32>
      %parallel_loop3A_351 = vector.shape_cast %parallel_loop3A_350 : vector<16x1xi32> to vector<16xi32>
      %parallel_loop3A_352 = tpu.dynamic_gather %parallel_loop3A_349[%parallel_loop3A_351] in [0] : vector<16xf32>, vector<16xi32> -> vector<16xf32>
      %parallel_loop3A_353 = arith.addf %parallel_loop3A_349, %parallel_loop3A_352 : vector<16xf32>
      %parallel_loop3A_354 = vector.shape_cast %xor3A_7 : vector<16xi32> to vector<16x1xi32>
      %parallel_loop3A_355 = vector.shape_cast %parallel_loop3A_354 : vector<16x1xi32> to vector<16xi32>
      %parallel_loop3A_356 = tpu.dynamic_gather %parallel_loop3A_353[%parallel_loop3A_355] in [0] : vector<16xf32>, vector<16xi32> -> vector<16xf32>
      %parallel_loop3A_357 = arith.addf %parallel_loop3A_353, %parallel_loop3A_356 : vector<16xf32>
      %parallel_loop3A_358 = vector.shape_cast %xor3A_11 : vector<16xi32> to vector<16x1xi32>
      %parallel_loop3A_359 = vector.shape_cast %parallel_loop3A_358 : vector<16x1xi32> to vector<16xi32>
      %parallel_loop3A_360 = tpu.dynamic_gather %parallel_loop3A_357[%parallel_loop3A_359] in [0] : vector<16xf32>, vector<16xi32> -> vector<16xf32>
      %parallel_loop3A_361 = arith.addf %parallel_loop3A_357, %parallel_loop3A_360 : vector<16xf32>
      %parallel_loop3A_362 = vector.shape_cast %xor3A_15 : vector<16xi32> to vector<16x1xi32>
      %parallel_loop3A_363 = vector.shape_cast %parallel_loop3A_362 : vector<16x1xi32> to vector<16xi32>
      %parallel_loop3A_364 = tpu.dynamic_gather %parallel_loop3A_361[%parallel_loop3A_363] in [0] : vector<16xf32>, vector<16xi32> -> vector<16xf32>
      %parallel_loop3A_365 = arith.addf %parallel_loop3A_361, %parallel_loop3A_364 : vector<16xf32>
      %parallel_loop3A_366 = arith.addf %parallel_loop3A_116, %parallel_loop3A_349 : vector<16xf32>
      %parallel_loop3A_367 = arith.mulf %parallel_loop3A_229, %parallel_loop3A_365 : vector<16xf32>
      %parallel_loop3A_368 = arith.addf %parallel_loop3A_117, %parallel_loop3A_367 : vector<16xf32>
      scf.yield %parallel_loop3A_366, %parallel_loop3A_368 : vector<16xf32>, vector<16xf32>
    } {sc.loop_unroll_factor = 2 : i64, sc.parallel_access}
    %dma_wait3A_88 = arith.constant 1 : i32
    %dma_wait3A_89 = arith.constant 0 : i32
    %dma_wait3A_90 = arith.constant 0 : i32
    %dma_wait3A_91 = tpu.memref_slice %arg8[%dma_wait3A_88, %dma_wait3A_89, %dma_wait3A_90] : memref<2x200x128xi32, #tpu.memory_space<vmem>> -> memref<1x200x128xi32, #tpu.memory_space<vmem>>
    %dma_wait3A_92 = tpu.memref_squeeze %dma_wait3A_91 : memref<1x200x128xi32, #tpu.memory_space<vmem>> -> memref<200x128xi32, #tpu.memory_space<vmem>>
    %dma_wait3A_93 = arith.constant 0 : i32
    %dma_wait3A_94 = tpu.memref_slice %arg6[%dma_wait3A_93] : memref<10000xi32, #tpu.memory_space<vmem>> -> memref<200xi32, #tpu.memory_space<vmem>>
    %dma_wait3A_95 = arith.constant 0 : i32
    %dma_wait3A_96 = arith.constant 0 : i32
    %dma_wait3A_97 = tpu.memref_slice %arg2[%dma_wait3A_95, %dma_wait3A_96] : memref<10000x128xi32, #tpu.memory_space<hbm>> -> memref<10000x128xi32, #tpu.memory_space<hbm>>
    tpu.wait_indirect_dma semaphore(%arg12 : memref<!tpu.dma_semaphore, #tpu.memory_space<semaphore_mem>>) src(%dma_wait3A_97 : memref<10000x128xi32, #tpu.memory_space<hbm>>) dst(%dma_wait3A_92 : memref<200x128xi32, #tpu.memory_space<vmem>>)
    %dma_wait3A_98 = arith.constant 1 : i32
    %dma_wait3A_99 = arith.constant 0 : i32
    %dma_wait3A_100 = arith.constant 0 : i32
    %dma_wait3A_101 = tpu.memref_slice %arg9[%dma_wait3A_98, %dma_wait3A_99, %dma_wait3A_100] : memref<2x200x128xi32, #tpu.memory_space<vmem>> -> memref<1x200x128xi32, #tpu.memory_space<vmem>>
    %dma_wait3A_102 = tpu.memref_squeeze %dma_wait3A_101 : memref<1x200x128xi32, #tpu.memory_space<vmem>> -> memref<200x128xi32, #tpu.memory_space<vmem>>
    %dma_wait3A_103 = arith.constant 0 : i32
    %dma_wait3A_104 = tpu.memref_slice %arg7[%dma_wait3A_103] : memref<10000xi32, #tpu.memory_space<vmem>> -> memref<200xi32, #tpu.memory_space<vmem>>
    %dma_wait3A_105 = arith.constant 0 : i32
    %dma_wait3A_106 = arith.constant 0 : i32
    %dma_wait3A_107 = tpu.memref_slice %arg2[%dma_wait3A_105, %dma_wait3A_106] : memref<10000x128xi32, #tpu.memory_space<hbm>> -> memref<10000x128xi32, #tpu.memory_space<hbm>>
    tpu.wait_indirect_dma semaphore(%arg14 : memref<!tpu.dma_semaphore, #tpu.memory_space<semaphore_mem>>) src(%dma_wait3A_107 : memref<10000x128xi32, #tpu.memory_space<hbm>>) dst(%dma_wait3A_102 : memref<200x128xi32, #tpu.memory_space<vmem>>)
    %parallel_loop3A_108 = arith.constant 0 : i32
    %parallel_loop3A_109 = arith.constant 200 : i32
    %parallel_loop3A_110 = arith.constant 1 : i32
    %parallel_loop3A_111:2 = scf.for %parallel_loop3A_115 = %parallel_loop3A_108 to %parallel_loop3A_109 step %parallel_loop3A_110 iter_args(%parallel_loop3A_116 = %parallel_loop3A_87#0, %parallel_loop3A_117 = %parallel_loop3A_87#1) -> (vector<16xf32>, vector<16xf32>)  : i32 {
      %parallel_loop3A_118 = arith.constant 1 : i32
      %parallel_loop3A_119 = arith.index_cast %parallel_loop3A_118 : i32 to index
      %parallel_loop3A_120 = arith.index_cast %parallel_loop3A_115 : i32 to index
      %parallel_loop3A_121 = arith.constant 0 : index
      %parallel_loop3A_122 = tpu.vector_load %arg8[%parallel_loop3A_119, %parallel_loop3A_120, %parallel_loop3A_121] {strides = array<i32>} : memref<2x200x128xi32, #tpu.memory_space<vmem>>, vector<1x1x16xi32>,
      %parallel_loop3A_123 = vector.shape_cast %parallel_loop3A_122 : vector<1x1x16xi32> to vector<16xi32>
      %parallel_loop3A_124 = arith.constant 16 : i32
      %parallel_loop3A_125 = vector.broadcast %parallel_loop3A_124 : i32 to vector<16xi32>
      %parallel_loop3A_126 = arith.shli %parallel_loop3A_123, %parallel_loop3A_125 : vector<16xi32>
      %parallel_loop3A_127 = tpu.bitcast %parallel_loop3A_126 : vector<16xi32> -> vector<16xf32>
      %parallel_loop3A_128 = arith.andi %parallel_loop3A_123, %broadcast_in_dim3A_17 : vector<16xi32>
      %parallel_loop3A_129 = tpu.bitcast %parallel_loop3A_128 : vector<16xi32> -> vector<16xf32>
      %parallel_loop3A_130 = arith.constant 1 : i32
      %parallel_loop3A_131 = arith.index_cast %parallel_loop3A_130 : i32 to index
      %parallel_loop3A_132 = arith.index_cast %parallel_loop3A_115 : i32 to index
      %parallel_loop3A_133 = arith.constant 0 : index
      %parallel_loop3A_134 = tpu.vector_load %arg9[%parallel_loop3A_131, %parallel_loop3A_132, %parallel_loop3A_133] {strides = array<i32>} : memref<2x200x128xi32, #tpu.memory_space<vmem>>, vector<1x1x16xi32>,
      %parallel_loop3A_135 = vector.shape_cast %parallel_loop3A_134 : vector<1x1x16xi32> to vector<16xi32>
      %parallel_loop3A_136 = arith.constant 16 : i32
      %parallel_loop3A_137 = vector.broadcast %parallel_loop3A_136 : i32 to vector<16xi32>
      %parallel_loop3A_138 = arith.shli %parallel_loop3A_135, %parallel_loop3A_137 : vector<16xi32>
      %parallel_loop3A_139 = tpu.bitcast %parallel_loop3A_138 : vector<16xi32> -> vector<16xf32>
      %parallel_loop3A_140 = arith.andi %parallel_loop3A_135, %broadcast_in_dim3A_17 : vector<16xi32>
      %parallel_loop3A_141 = tpu.bitcast %parallel_loop3A_140 : vector<16xi32> -> vector<16xf32>
      %parallel_loop3A_142 = arith.mulf %parallel_loop3A_127, %parallel_loop3A_139 : vector<16xf32>
      %parallel_loop3A_143 = arith.addf %broadcast_in_dim3A_1, %parallel_loop3A_142 : vector<16xf32>
      %parallel_loop3A_144 = arith.mulf %parallel_loop3A_129, %parallel_loop3A_141 : vector<16xf32>
      %parallel_loop3A_145 = arith.addf %parallel_loop3A_143, %parallel_loop3A_144 : vector<16xf32>
      %parallel_loop3A_146 = arith.constant 1 : i32
      %parallel_loop3A_147 = arith.index_cast %parallel_loop3A_146 : i32 to index
      %parallel_loop3A_148 = arith.index_cast %parallel_loop3A_115 : i32 to index
      %parallel_loop3A_149 = arith.constant 16 : index
      %parallel_loop3A_150 = tpu.vector_load %arg8[%parallel_loop3A_147, %parallel_loop3A_148, %parallel_loop3A_149] {strides = array<i32>} : memref<2x200x128xi32, #tpu.memory_space<vmem>>, vector<1x1x16xi32>,
      %parallel_loop3A_151 = vector.shape_cast %parallel_loop3A_150 : vector<1x1x16xi32> to vector<16xi32>
      %parallel_loop3A_152 = arith.constant 16 : i32
      %parallel_loop3A_153 = vector.broadcast %parallel_loop3A_152 : i32 to vector<16xi32>
      %parallel_loop3A_154 = arith.shli %parallel_loop3A_151, %parallel_loop3A_153 : vector<16xi32>
      %parallel_loop3A_155 = tpu.bitcast %parallel_loop3A_154 : vector<16xi32> -> vector<16xf32>
      %parallel_loop3A_156 = arith.andi %parallel_loop3A_151, %broadcast_in_dim3A_17 : vector<16xi32>
      %parallel_loop3A_157 = tpu.bitcast %parallel_loop3A_156 : vector<16xi32> -> vector<16xf32>
      %parallel_loop3A_158 = arith.constant 1 : i32
      %parallel_loop3A_159 = arith.index_cast %parallel_loop3A_158 : i32 to index
      %parallel_loop3A_160 = arith.index_cast %parallel_loop3A_115 : i32 to index
      %parallel_loop3A_161 = arith.constant 16 : index
      %parallel_loop3A_162 = tpu.vector_load %arg9[%parallel_loop3A_159, %parallel_loop3A_160, %parallel_loop3A_161] {strides = array<i32>} : memref<2x200x128xi32, #tpu.memory_space<vmem>>, vector<1x1x16xi32>,
      %parallel_loop3A_163 = vector.shape_cast %parallel_loop3A_162 : vector<1x1x16xi32> to vector<16xi32>
      %parallel_loop3A_164 = arith.constant 16 : i32
      %parallel_loop3A_165 = vector.broadcast %parallel_loop3A_164 : i32 to vector<16xi32>
      %parallel_loop3A_166 = arith.shli %parallel_loop3A_163, %parallel_loop3A_165 : vector<16xi32>
      %parallel_loop3A_167 = tpu.bitcast %parallel_loop3A_166 : vector<16xi32> -> vector<16xf32>
      %parallel_loop3A_168 = arith.andi %parallel_loop3A_163, %broadcast_in_dim3A_17 : vector<16xi32>
      %parallel_loop3A_169 = tpu.bitcast %parallel_loop3A_168 : vector<16xi32> -> vector<16xf32>
      %parallel_loop3A_170 = arith.mulf %parallel_loop3A_155, %parallel_loop3A_167 : vector<16xf32>
      %parallel_loop3A_171 = arith.addf %parallel_loop3A_145, %parallel_loop3A_170 : vector<16xf32>
      %parallel_loop3A_172 = arith.mulf %parallel_loop3A_157, %parallel_loop3A_169 : vector<16xf32>
      %parallel_loop3A_173 = arith.addf %parallel_loop3A_171, %parallel_loop3A_172 : vector<16xf32>
      %parallel_loop3A_174 = arith.constant 1 : i32
      %parallel_loop3A_175 = arith.index_cast %parallel_loop3A_174 : i32 to index
      %parallel_loop3A_176 = arith.index_cast %parallel_loop3A_115 : i32 to index
      %parallel_loop3A_177 = arith.constant 32 : index
      %parallel_loop3A_178 = tpu.vector_load %arg8[%parallel_loop3A_175, %parallel_loop3A_176, %parallel_loop3A_177] {strides = array<i32>} : memref<2x200x128xi32, #tpu.memory_space<vmem>>, vector<1x1x16xi32>,
      %parallel_loop3A_179 = vector.shape_cast %parallel_loop3A_178 : vector<1x1x16xi32> to vector<16xi32>
      %parallel_loop3A_180 = arith.constant 16 : i32
      %parallel_loop3A_181 = vector.broadcast %parallel_loop3A_180 : i32 to vector<16xi32>
      %parallel_loop3A_182 = arith.shli %parallel_loop3A_179, %parallel_loop3A_181 : vector<16xi32>
      %parallel_loop3A_183 = tpu.bitcast %parallel_loop3A_182 : vector<16xi32> -> vector<16xf32>
      %parallel_loop3A_184 = arith.andi %parallel_loop3A_179, %broadcast_in_dim3A_17 : vector<16xi32>
      %parallel_loop3A_185 = tpu.bitcast %parallel_loop3A_184 : vector<16xi32> -> vector<16xf32>
      %parallel_loop3A_186 = arith.constant 1 : i32
      %parallel_loop3A_187 = arith.index_cast %parallel_loop3A_186 : i32 to index
      %parallel_loop3A_188 = arith.index_cast %parallel_loop3A_115 : i32 to index
      %parallel_loop3A_189 = arith.constant 32 : index
      %parallel_loop3A_190 = tpu.vector_load %arg9[%parallel_loop3A_187, %parallel_loop3A_188, %parallel_loop3A_189] {strides = array<i32>} : memref<2x200x128xi32, #tpu.memory_space<vmem>>, vector<1x1x16xi32>,
      %parallel_loop3A_191 = vector.shape_cast %parallel_loop3A_190 : vector<1x1x16xi32> to vector<16xi32>
      %parallel_loop3A_192 = arith.constant 16 : i32
      %parallel_loop3A_193 = vector.broadcast %parallel_loop3A_192 : i32 to vector<16xi32>
      %parallel_loop3A_194 = arith.shli %parallel_loop3A_191, %parallel_loop3A_193 : vector<16xi32>
      %parallel_loop3A_195 = tpu.bitcast %parallel_loop3A_194 : vector<16xi32> -> vector<16xf32>
      %parallel_loop3A_196 = arith.andi %parallel_loop3A_191, %broadcast_in_dim3A_17 : vector<16xi32>
      %parallel_loop3A_197 = tpu.bitcast %parallel_loop3A_196 : vector<16xi32> -> vector<16xf32>
      %parallel_loop3A_198 = arith.mulf %parallel_loop3A_183, %parallel_loop3A_195 : vector<16xf32>
      %parallel_loop3A_199 = arith.addf %parallel_loop3A_173, %parallel_loop3A_198 : vector<16xf32>
      %parallel_loop3A_200 = arith.mulf %parallel_loop3A_185, %parallel_loop3A_197 : vector<16xf32>
      %parallel_loop3A_201 = arith.addf %parallel_loop3A_199, %parallel_loop3A_200 : vector<16xf32>
      %parallel_loop3A_202 = arith.constant 1 : i32
      %parallel_loop3A_203 = arith.index_cast %parallel_loop3A_202 : i32 to index
      %parallel_loop3A_204 = arith.index_cast %parallel_loop3A_115 : i32 to index
      %parallel_loop3A_205 = arith.constant 48 : index
      %parallel_loop3A_206 = tpu.vector_load %arg8[%parallel_loop3A_203, %parallel_loop3A_204, %parallel_loop3A_205] {strides = array<i32>} : memref<2x200x128xi32, #tpu.memory_space<vmem>>, vector<1x1x16xi32>,
      %parallel_loop3A_207 = vector.shape_cast %parallel_loop3A_206 : vector<1x1x16xi32> to vector<16xi32>
      %parallel_loop3A_208 = arith.constant 16 : i32
      %parallel_loop3A_209 = vector.broadcast %parallel_loop3A_208 : i32 to vector<16xi32>
      %parallel_loop3A_210 = arith.shli %parallel_loop3A_207, %parallel_loop3A_209 : vector<16xi32>
      %parallel_loop3A_211 = tpu.bitcast %parallel_loop3A_210 : vector<16xi32> -> vector<16xf32>
      %parallel_loop3A_212 = arith.andi %parallel_loop3A_207, %broadcast_in_dim3A_17 : vector<16xi32>
      %parallel_loop3A_213 = tpu.bitcast %parallel_loop3A_212 : vector<16xi32> -> vector<16xf32>
      %parallel_loop3A_214 = arith.constant 1 : i32
      %parallel_loop3A_215 = arith.index_cast %parallel_loop3A_214 : i32 to index
      %parallel_loop3A_216 = arith.index_cast %parallel_loop3A_115 : i32 to index
      %parallel_loop3A_217 = arith.constant 48 : index
      %parallel_loop3A_218 = tpu.vector_load %arg9[%parallel_loop3A_215, %parallel_loop3A_216, %parallel_loop3A_217] {strides = array<i32>} : memref<2x200x128xi32, #tpu.memory_space<vmem>>, vector<1x1x16xi32>,
      %parallel_loop3A_219 = vector.shape_cast %parallel_loop3A_218 : vector<1x1x16xi32> to vector<16xi32>
      %parallel_loop3A_220 = arith.constant 16 : i32
      %parallel_loop3A_221 = vector.broadcast %parallel_loop3A_220 : i32 to vector<16xi32>
      %parallel_loop3A_222 = arith.shli %parallel_loop3A_219, %parallel_loop3A_221 : vector<16xi32>
      %parallel_loop3A_223 = tpu.bitcast %parallel_loop3A_222 : vector<16xi32> -> vector<16xf32>
      %parallel_loop3A_224 = arith.andi %parallel_loop3A_219, %broadcast_in_dim3A_17 : vector<16xi32>
      %parallel_loop3A_225 = tpu.bitcast %parallel_loop3A_224 : vector<16xi32> -> vector<16xf32>
      %parallel_loop3A_226 = arith.mulf %parallel_loop3A_211, %parallel_loop3A_223 : vector<16xf32>
      %parallel_loop3A_227 = arith.addf %parallel_loop3A_201, %parallel_loop3A_226 : vector<16xf32>
      %parallel_loop3A_228 = arith.mulf %parallel_loop3A_213, %parallel_loop3A_225 : vector<16xf32>
      %parallel_loop3A_229 = arith.addf %parallel_loop3A_227, %parallel_loop3A_228 : vector<16xf32>
      %parallel_loop3A_230 = arith.constant 1 : i32
      %parallel_loop3A_231 = arith.index_cast %parallel_loop3A_230 : i32 to index
      %parallel_loop3A_232 = arith.index_cast %parallel_loop3A_115 : i32 to index
      %parallel_loop3A_233 = arith.constant 64 : index
      %parallel_loop3A_234 = tpu.vector_load %arg8[%parallel_loop3A_231, %parallel_loop3A_232, %parallel_loop3A_233] {strides = array<i32>} : memref<2x200x128xi32, #tpu.memory_space<vmem>>, vector<1x1x16xi32>,
      %parallel_loop3A_235 = vector.shape_cast %parallel_loop3A_234 : vector<1x1x16xi32> to vector<16xi32>
      %parallel_loop3A_236 = arith.constant 16 : i32
      %parallel_loop3A_237 = vector.broadcast %parallel_loop3A_236 : i32 to vector<16xi32>
      %parallel_loop3A_238 = arith.shli %parallel_loop3A_235, %parallel_loop3A_237 : vector<16xi32>
      %parallel_loop3A_239 = tpu.bitcast %parallel_loop3A_238 : vector<16xi32> -> vector<16xf32>
      %parallel_loop3A_240 = arith.andi %parallel_loop3A_235, %broadcast_in_dim3A_17 : vector<16xi32>
      %parallel_loop3A_241 = tpu.bitcast %parallel_loop3A_240 : vector<16xi32> -> vector<16xf32>
      %parallel_loop3A_242 = arith.constant 1 : i32
      %parallel_loop3A_243 = arith.index_cast %parallel_loop3A_242 : i32 to index
      %parallel_loop3A_244 = arith.index_cast %parallel_loop3A_115 : i32 to index
      %parallel_loop3A_245 = arith.constant 64 : index
      %parallel_loop3A_246 = tpu.vector_load %arg9[%parallel_loop3A_243, %parallel_loop3A_244, %parallel_loop3A_245] {strides = array<i32>} : memref<2x200x128xi32, #tpu.memory_space<vmem>>, vector<1x1x16xi32>,
      %parallel_loop3A_247 = vector.shape_cast %parallel_loop3A_246 : vector<1x1x16xi32> to vector<16xi32>
      %parallel_loop3A_248 = arith.constant 16 : i32
      %parallel_loop3A_249 = vector.broadcast %parallel_loop3A_248 : i32 to vector<16xi32>
      %parallel_loop3A_250 = arith.shli %parallel_loop3A_247, %parallel_loop3A_249 : vector<16xi32>
      %parallel_loop3A_251 = tpu.bitcast %parallel_loop3A_250 : vector<16xi32> -> vector<16xf32>
      %parallel_loop3A_252 = arith.andi %parallel_loop3A_247, %broadcast_in_dim3A_17 : vector<16xi32>
      %parallel_loop3A_253 = tpu.bitcast %parallel_loop3A_252 : vector<16xi32> -> vector<16xf32>
      %parallel_loop3A_254 = arith.subf %parallel_loop3A_239, %parallel_loop3A_251 : vector<16xf32>
      %parallel_loop3A_255 = arith.subf %parallel_loop3A_241, %parallel_loop3A_253 : vector<16xf32>
      %parallel_loop3A_256 = arith.mulf %parallel_loop3A_254, %parallel_loop3A_254 : vector<16xf32>
      %parallel_loop3A_257 = arith.addf %broadcast_in_dim3A_1, %parallel_loop3A_256 : vector<16xf32>
      %parallel_loop3A_258 = arith.mulf %parallel_loop3A_255, %parallel_loop3A_255 : vector<16xf32>
      %parallel_loop3A_259 = arith.addf %parallel_loop3A_257, %parallel_loop3A_258 : vector<16xf32>
      %parallel_loop3A_260 = arith.constant 1 : i32
      %parallel_loop3A_261 = arith.index_cast %parallel_loop3A_260 : i32 to index
      %parallel_loop3A_262 = arith.index_cast %parallel_loop3A_115 : i32 to index
      %parallel_loop3A_263 = arith.constant 80 : index
      %parallel_loop3A_264 = tpu.vector_load %arg8[%parallel_loop3A_261, %parallel_loop3A_262, %parallel_loop3A_263] {strides = array<i32>} : memref<2x200x128xi32, #tpu.memory_space<vmem>>, vector<1x1x16xi32>,
      %parallel_loop3A_265 = vector.shape_cast %parallel_loop3A_264 : vector<1x1x16xi32> to vector<16xi32>
      %parallel_loop3A_266 = arith.constant 16 : i32
      %parallel_loop3A_267 = vector.broadcast %parallel_loop3A_266 : i32 to vector<16xi32>
      %parallel_loop3A_268 = arith.shli %parallel_loop3A_265, %parallel_loop3A_267 : vector<16xi32>
      %parallel_loop3A_269 = tpu.bitcast %parallel_loop3A_268 : vector<16xi32> -> vector<16xf32>
      %parallel_loop3A_270 = arith.andi %parallel_loop3A_265, %broadcast_in_dim3A_17 : vector<16xi32>
      %parallel_loop3A_271 = tpu.bitcast %parallel_loop3A_270 : vector<16xi32> -> vector<16xf32>
      %parallel_loop3A_272 = arith.constant 1 : i32
      %parallel_loop3A_273 = arith.index_cast %parallel_loop3A_272 : i32 to index
      %parallel_loop3A_274 = arith.index_cast %parallel_loop3A_115 : i32 to index
      %parallel_loop3A_275 = arith.constant 80 : index
      %parallel_loop3A_276 = tpu.vector_load %arg9[%parallel_loop3A_273, %parallel_loop3A_274, %parallel_loop3A_275] {strides = array<i32>} : memref<2x200x128xi32, #tpu.memory_space<vmem>>, vector<1x1x16xi32>,
      %parallel_loop3A_277 = vector.shape_cast %parallel_loop3A_276 : vector<1x1x16xi32> to vector<16xi32>
      %parallel_loop3A_278 = arith.constant 16 : i32
      %parallel_loop3A_279 = vector.broadcast %parallel_loop3A_278 : i32 to vector<16xi32>
      %parallel_loop3A_280 = arith.shli %parallel_loop3A_277, %parallel_loop3A_279 : vector<16xi32>
      %parallel_loop3A_281 = tpu.bitcast %parallel_loop3A_280 : vector<16xi32> -> vector<16xf32>
      %parallel_loop3A_282 = arith.andi %parallel_loop3A_277, %broadcast_in_dim3A_17 : vector<16xi32>
      %parallel_loop3A_283 = tpu.bitcast %parallel_loop3A_282 : vector<16xi32> -> vector<16xf32>
      %parallel_loop3A_284 = arith.subf %parallel_loop3A_269, %parallel_loop3A_281 : vector<16xf32>
      %parallel_loop3A_285 = arith.subf %parallel_loop3A_271, %parallel_loop3A_283 : vector<16xf32>
      %parallel_loop3A_286 = arith.mulf %parallel_loop3A_284, %parallel_loop3A_284 : vector<16xf32>
      %parallel_loop3A_287 = arith.addf %parallel_loop3A_259, %parallel_loop3A_286 : vector<16xf32>
      %parallel_loop3A_288 = arith.mulf %parallel_loop3A_285, %parallel_loop3A_285 : vector<16xf32>
      %parallel_loop3A_289 = arith.addf %parallel_loop3A_287, %parallel_loop3A_288 : vector<16xf32>
      %parallel_loop3A_290 = arith.constant 1 : i32
      %parallel_loop3A_291 = arith.index_cast %parallel_loop3A_290 : i32 to index
      %parallel_loop3A_292 = arith.index_cast %parallel_loop3A_115 : i32 to index
      %parallel_loop3A_293 = arith.constant 96 : index
      %parallel_loop3A_294 = tpu.vector_load %arg8[%parallel_loop3A_291, %parallel_loop3A_292, %parallel_loop3A_293] {strides = array<i32>} : memref<2x200x128xi32, #tpu.memory_space<vmem>>, vector<1x1x16xi32>,
      %parallel_loop3A_295 = vector.shape_cast %parallel_loop3A_294 : vector<1x1x16xi32> to vector<16xi32>
      %parallel_loop3A_296 = arith.constant 16 : i32
      %parallel_loop3A_297 = vector.broadcast %parallel_loop3A_296 : i32 to vector<16xi32>
      %parallel_loop3A_298 = arith.shli %parallel_loop3A_295, %parallel_loop3A_297 : vector<16xi32>
      %parallel_loop3A_299 = tpu.bitcast %parallel_loop3A_298 : vector<16xi32> -> vector<16xf32>
      %parallel_loop3A_300 = arith.andi %parallel_loop3A_295, %broadcast_in_dim3A_17 : vector<16xi32>
      %parallel_loop3A_301 = tpu.bitcast %parallel_loop3A_300 : vector<16xi32> -> vector<16xf32>
      %parallel_loop3A_302 = arith.constant 1 : i32
      %parallel_loop3A_303 = arith.index_cast %parallel_loop3A_302 : i32 to index
      %parallel_loop3A_304 = arith.index_cast %parallel_loop3A_115 : i32 to index
      %parallel_loop3A_305 = arith.constant 96 : index
      %parallel_loop3A_306 = tpu.vector_load %arg9[%parallel_loop3A_303, %parallel_loop3A_304, %parallel_loop3A_305] {strides = array<i32>} : memref<2x200x128xi32, #tpu.memory_space<vmem>>, vector<1x1x16xi32>,
      %parallel_loop3A_307 = vector.shape_cast %parallel_loop3A_306 : vector<1x1x16xi32> to vector<16xi32>
      %parallel_loop3A_308 = arith.constant 16 : i32
      %parallel_loop3A_309 = vector.broadcast %parallel_loop3A_308 : i32 to vector<16xi32>
      %parallel_loop3A_310 = arith.shli %parallel_loop3A_307, %parallel_loop3A_309 : vector<16xi32>
      %parallel_loop3A_311 = tpu.bitcast %parallel_loop3A_310 : vector<16xi32> -> vector<16xf32>
      %parallel_loop3A_312 = arith.andi %parallel_loop3A_307, %broadcast_in_dim3A_17 : vector<16xi32>
      %parallel_loop3A_313 = tpu.bitcast %parallel_loop3A_312 : vector<16xi32> -> vector<16xf32>
      %parallel_loop3A_314 = arith.subf %parallel_loop3A_299, %parallel_loop3A_311 : vector<16xf32>
      %parallel_loop3A_315 = arith.subf %parallel_loop3A_301, %parallel_loop3A_313 : vector<16xf32>
      %parallel_loop3A_316 = arith.mulf %parallel_loop3A_314, %parallel_loop3A_314 : vector<16xf32>
      %parallel_loop3A_317 = arith.addf %parallel_loop3A_289, %parallel_loop3A_316 : vector<16xf32>
      %parallel_loop3A_318 = arith.mulf %parallel_loop3A_315, %parallel_loop3A_315 : vector<16xf32>
      %parallel_loop3A_319 = arith.addf %parallel_loop3A_317, %parallel_loop3A_318 : vector<16xf32>
      %parallel_loop3A_320 = arith.constant 1 : i32
      %parallel_loop3A_321 = arith.index_cast %parallel_loop3A_320 : i32 to index
      %parallel_loop3A_322 = arith.index_cast %parallel_loop3A_115 : i32 to index
      %parallel_loop3A_323 = arith.constant 112 : index
      %parallel_loop3A_324 = tpu.vector_load %arg8[%parallel_loop3A_321, %parallel_loop3A_322, %parallel_loop3A_323] {strides = array<i32>} : memref<2x200x128xi32, #tpu.memory_space<vmem>>, vector<1x1x16xi32>,
      %parallel_loop3A_325 = vector.shape_cast %parallel_loop3A_324 : vector<1x1x16xi32> to vector<16xi32>
      %parallel_loop3A_326 = arith.constant 16 : i32
      %parallel_loop3A_327 = vector.broadcast %parallel_loop3A_326 : i32 to vector<16xi32>
      %parallel_loop3A_328 = arith.shli %parallel_loop3A_325, %parallel_loop3A_327 : vector<16xi32>
      %parallel_loop3A_329 = tpu.bitcast %parallel_loop3A_328 : vector<16xi32> -> vector<16xf32>
      %parallel_loop3A_330 = arith.andi %parallel_loop3A_325, %broadcast_in_dim3A_17 : vector<16xi32>
      %parallel_loop3A_331 = tpu.bitcast %parallel_loop3A_330 : vector<16xi32> -> vector<16xf32>
      %parallel_loop3A_332 = arith.constant 1 : i32
      %parallel_loop3A_333 = arith.index_cast %parallel_loop3A_332 : i32 to index
      %parallel_loop3A_334 = arith.index_cast %parallel_loop3A_115 : i32 to index
      %parallel_loop3A_335 = arith.constant 112 : index
      %parallel_loop3A_336 = tpu.vector_load %arg9[%parallel_loop3A_333, %parallel_loop3A_334, %parallel_loop3A_335] {strides = array<i32>} : memref<2x200x128xi32, #tpu.memory_space<vmem>>, vector<1x1x16xi32>,
      %parallel_loop3A_337 = vector.shape_cast %parallel_loop3A_336 : vector<1x1x16xi32> to vector<16xi32>
      %parallel_loop3A_338 = arith.constant 16 : i32
      %parallel_loop3A_339 = vector.broadcast %parallel_loop3A_338 : i32 to vector<16xi32>
      %parallel_loop3A_340 = arith.shli %parallel_loop3A_337, %parallel_loop3A_339 : vector<16xi32>
      %parallel_loop3A_341 = tpu.bitcast %parallel_loop3A_340 : vector<16xi32> -> vector<16xf32>
      %parallel_loop3A_342 = arith.andi %parallel_loop3A_337, %broadcast_in_dim3A_17 : vector<16xi32>
      %parallel_loop3A_343 = tpu.bitcast %parallel_loop3A_342 : vector<16xi32> -> vector<16xf32>
      %parallel_loop3A_344 = arith.subf %parallel_loop3A_329, %parallel_loop3A_341 : vector<16xf32>
      %parallel_loop3A_345 = arith.subf %parallel_loop3A_331, %parallel_loop3A_343 : vector<16xf32>
      %parallel_loop3A_346 = arith.mulf %parallel_loop3A_344, %parallel_loop3A_344 : vector<16xf32>
      %parallel_loop3A_347 = arith.addf %parallel_loop3A_319, %parallel_loop3A_346 : vector<16xf32>
      %parallel_loop3A_348 = arith.mulf %parallel_loop3A_345, %parallel_loop3A_345 : vector<16xf32>
      %parallel_loop3A_349 = arith.addf %parallel_loop3A_347, %parallel_loop3A_348 : vector<16xf32>
      %parallel_loop3A_350 = vector.shape_cast %xor3A_3 : vector<16xi32> to vector<16x1xi32>
      %parallel_loop3A_351 = vector.shape_cast %parallel_loop3A_350 : vector<16x1xi32> to vector<16xi32>
      %parallel_loop3A_352 = tpu.dynamic_gather %parallel_loop3A_349[%parallel_loop3A_351] in [0] : vector<16xf32>, vector<16xi32> -> vector<16xf32>
      %parallel_loop3A_353 = arith.addf %parallel_loop3A_349, %parallel_loop3A_352 : vector<16xf32>
      %parallel_loop3A_354 = vector.shape_cast %xor3A_7 : vector<16xi32> to vector<16x1xi32>
      %parallel_loop3A_355 = vector.shape_cast %parallel_loop3A_354 : vector<16x1xi32> to vector<16xi32>
      %parallel_loop3A_356 = tpu.dynamic_gather %parallel_loop3A_353[%parallel_loop3A_355] in [0] : vector<16xf32>, vector<16xi32> -> vector<16xf32>
      %parallel_loop3A_357 = arith.addf %parallel_loop3A_353, %parallel_loop3A_356 : vector<16xf32>
      %parallel_loop3A_358 = vector.shape_cast %xor3A_11 : vector<16xi32> to vector<16x1xi32>
      %parallel_loop3A_359 = vector.shape_cast %parallel_loop3A_358 : vector<16x1xi32> to vector<16xi32>
      %parallel_loop3A_360 = tpu.dynamic_gather %parallel_loop3A_357[%parallel_loop3A_359] in [0] : vector<16xf32>, vector<16xi32> -> vector<16xf32>
      %parallel_loop3A_361 = arith.addf %parallel_loop3A_357, %parallel_loop3A_360 : vector<16xf32>
      %parallel_loop3A_362 = vector.shape_cast %xor3A_15 : vector<16xi32> to vector<16x1xi32>
      %parallel_loop3A_363 = vector.shape_cast %parallel_loop3A_362 : vector<16x1xi32> to vector<16xi32>
      %parallel_loop3A_364 = tpu.dynamic_gather %parallel_loop3A_361[%parallel_loop3A_363] in [0] : vector<16xf32>, vector<16xi32> -> vector<16xf32>
      %parallel_loop3A_365 = arith.addf %parallel_loop3A_361, %parallel_loop3A_364 : vector<16xf32>
      %parallel_loop3A_366 = arith.addf %parallel_loop3A_116, %parallel_loop3A_349 : vector<16xf32>
      %parallel_loop3A_367 = arith.mulf %parallel_loop3A_229, %parallel_loop3A_365 : vector<16xf32>
      %parallel_loop3A_368 = arith.addf %parallel_loop3A_117, %parallel_loop3A_367 : vector<16xf32>
      scf.yield %parallel_loop3A_366, %parallel_loop3A_368 : vector<16xf32>, vector<16xf32>
    } {sc.loop_unroll_factor = 2 : i64, sc.parallel_access}
    %sub3A = arith.subf %parallel_loop3A_111#0, %parallel_loop3A_111#1 : vector<16xf32>
    %swap3A = arith.constant 0 : index
    %swap3A_112 = tpu.vector_load %arg10[%swap3A] {strides = array<i32>} : memref<16xf32, #tpu.memory_space<vmem>>, vector<16xf32>,
    %swap3A_113 = vector.shape_cast %swap3A_112 : vector<16xf32> to vector<16xf32>
    %swap3A_114 = vector.shape_cast %sub3A : vector<16xf32> to vector<16xf32>
    tpu.vector_store %arg10[%swap3A], %swap3A_114 {strides = array<i32>} : memref<16xf32, #tpu.memory_space<vmem>>, vector<16xf32>,
    "tpu.region"() ({
      %run_scoped3A = tpu.sem_alloc : memref<!tpu.dma_semaphore, #tpu.memory_space<semaphore_mem>>
      %dma_start3A_115 = arith.constant 0 : i32
      %dma_start3A_116 = tpu.memref_slice %arg5[%add3A, %dma_start3A_115] : memref<32x16xf32, #tpu.memory_space<hbm>> -> memref<1x16xf32, #tpu.memory_space<hbm>>
      %dma_start3A_117 = tpu.memref_squeeze %dma_start3A_116 : memref<1x16xf32, #tpu.memory_space<hbm>> -> memref<16xf32, #tpu.memory_space<hbm>>
      %dma_start3A_118 = arith.constant 0 : i32
      %dma_start3A_119 = tpu.memref_slice %arg5[%add3A, %dma_start3A_118] : memref<32x16xf32, #tpu.memory_space<hbm>> -> memref<1x16xf32, #tpu.memory_space<hbm>>
      %dma_start3A_120 = tpu.memref_squeeze %dma_start3A_119 : memref<1x16xf32, #tpu.memory_space<hbm>> -> memref<16xf32, #tpu.memory_space<hbm>>
      tpu.enqueue_dma source(%arg10 : memref<16xf32, #tpu.memory_space<vmem>>) target(%dma_start3A_120 : memref<16xf32, #tpu.memory_space<hbm>>) target_semaphore(%run_scoped3A : memref<!tpu.dma_semaphore, #tpu.memory_space<semaphore_mem>>)
      %dma_wait3A_121 = arith.constant 0 : i32
      %dma_wait3A_122 = tpu.memref_slice %arg5[%add3A, %dma_wait3A_121] : memref<32x16xf32, #tpu.memory_space<hbm>> -> memref<1x16xf32, #tpu.memory_space<hbm>>
      %dma_wait3A_123 = tpu.memref_squeeze %dma_wait3A_122 : memref<1x16xf32, #tpu.memory_space<hbm>> -> memref<16xf32, #tpu.memory_space<hbm>>
      %dma_wait3A_124 = arith.constant 0 : i32
      %dma_wait3A_125 = tpu.memref_slice %arg5[%add3A, %dma_wait3A_124] : memref<32x16xf32, #tpu.memory_space<hbm>> -> memref<1x16xf32, #tpu.memory_space<hbm>>
      %dma_wait3A_126 = tpu.memref_squeeze %dma_wait3A_125 : memref<1x16xf32, #tpu.memory_space<hbm>> -> memref<16xf32, #tpu.memory_space<hbm>>
      tpu.wait_dma2 semaphore(%run_scoped3A : memref<!tpu.dma_semaphore, #tpu.memory_space<semaphore_mem>>) src(%arg10 : memref<16xf32, #tpu.memory_space<vmem>>) dst(%dma_wait3A_126 : memref<16xf32, #tpu.memory_space<hbm>>)
      tpu.yield
    }) : () -> ()
    return
  }
}

</mosaic_0001>

<sc_bundles>
// kernel: _run.3.cloned.1.call-start
scs
__scs_entry_jumppad:
0x0: {  	(pc) =	sbr.rel $0x88, $3  }
0x1: {  	(tag) =	ssettag $0x0;
	lr =	simm.s32 $0x1  }
0x2: {  	[smem:$0x3F9E] =	sst lr;
	_ =	strace $0xD0000000  }
0x3: {  	_ = 	snop  }
0x4: {  	_ = 	snop  }
0x5: {  	_ = 	snop  }
0x6: {  	_ = 	snop  }
0x7: {  	_ = 	snop  }
__scs_overlays_trampoline_lowered:
0x8: {  	[smem:$0x3FAD] =	sst s0  }
0x9: {  	[smem:$0x3FAE] =	sst s1  }
0xa: {  	[smem:$0x3FAF] =	sst s2  }
0xb: {  	[smem:$0x3FB0] =	sst s3  }
0xc: {  	[smem:$0x3FB1] =	sst s4  }
0xd: {  	[smem:$0x3FB2] =	sst s5  }
0xe: {  	[smem:$0x3FB3] =	sst s6  }
0xf: {  	[smem:$0x3FB4] =	sst s7  }
0x10: {  	[smem:$0x3FB5] =	sst s8  }
0x11: {  	[smem:$0x3FB6] =	sst s9;
	s0 =	simm.s32 @!p0 $0x0  }
0x12: {  	s1 =	sld [smem:$0x3F9C];
	s0 =	simm.s32 @p0 $0x1  }
0x13: {  	[smem:$0x3FB7] =	sst s0;
	s0 =	simm.s32 @!p1 $0x0  }
0x14: {  	s2 =	sld [smem:$0x3F9B];
	s0 =	simm.s32 @p1 $0x1  }
0x15: {  	[smem:$0x3FB8] =	sst s0;
	s0 =	simm.s32 @!p2 $0x0  }
0x16: {  	s3 =	sld [smem:$0x3FDB];
	s0 =	simm.s32 @p2 $0x1  }
0x17: {  	s4 =	simm.s32 $0x1BF5;
	[smem:$0x3FBA] =	sst s0  }
0x18: {  	s0 =	sld [smem:$0x3F9D];
	_ =	swait.ge [sflag:s4], $0x0  }
0x19: {  	s7 =	sld [smem:$0x3F9E]  }
0x1a: {  	s8 =	sadd.s32 $0xFFFFE003, lr  }
0x1b: {  	s9 =	sadd.s32 $0xFFFFFEF7, lr;
	s5 =	simm.s32 $0xFFFFFFFF;
	p2 =	slt.u32 s8, $0xFFFFF086  }
0x1c: {  	p1 =	slt.u32 s9, $0xF7A;
	s5 =	simm.s32 @!p2 $0x0  }
0x1d: {  	s5 =	simm.s32 @p1 $0x1;
	p0 =	seq.s32 s7, s2  }
0x1e: {  	s7 =	smul.u32 @!p0 $0xF7A, s2;
	p2 =	seq.s32 @!p0 s5, $0x0  }
0x1f: {  	s9 =	smul.u32 $0xF7A, s1;
	s8 =	simm.s32 @!p0 $0x1BF5;
	p2 =	por !p2, p0  }
0x20: {  	[sflag:s8] =	ssyncset.s32 @!p0 $0xFFFFF086;
	s6 =	sadd.s32 @!p0 s3, s7;
	s7 =	simm.s32 @!p0 $0x108  }
0x21: {  	s3 =	sadd.s32 s3, s9;
	s6 =	sadd.s32 @!p0 $0x88, s6;
	s7 =	simm.s32 @p2 $0x1082  }
0x22: {  	[simem:s7], [sflag:s8] =	dma.local @!p0 [hbm:s6], $0xF7A  }
0x23: {  	s9 =	sor.u32 $0xD0000000, s2;
	s6 =	simm.s32 $0x108;
	_ =	swait.ge @!p0 [sflag:s8], $0x0  }
0x24: {  	s3 =	sadd.s32 $0x88, s3;
	s6 =	simm.s32 @!p1 $0x1082;
	[sflag:s4] =	ssyncset.s32 $0xFFFFF086  }
0x25: {  	[simem:s6], [sflag:s4] =	dma.local [hbm:s3], $0xF7A  }
0x26: {  	[smem:$0x3F9E] =	sst s1;
	(tag) =	ssettag s2;
	_ =	strace s9  }
0x27: {  	s1 =	sld [smem:$0x3FAE]  }
0x28: {  	s2 =	sld [smem:$0x3FAF]  }
0x29: {  	s4 =	sld [smem:$0x3FB1]  }
0x2a: {  	p0 =	seq.s32 s5, $0x0;
	s5 =	sld [smem:$0x3FB2]  }
0x2b: {  	s6 =	sld [smem:$0x3FB3]  }
0x2c: {  	s7 =	sld [smem:$0x3FB4]  }
0x2d: {  	s3 =	simm.s32 $0x108;
	s8 =	sld [smem:$0x3FB5]  }
0x2e: {  	s3 =	simm.s32 @!p0 $0x1082;
	s9 =	sld [smem:$0x3FB6]  }
0x2f: {  	lr =	sadd.s32 s0, s3;
	s0 =	sld [smem:$0x3FAD]  }
0x30: {  	s3 =	sld [smem:$0x3FB0]  }
0x31: {  	[smem:$0x3FB9] =	sst s10  }
0x32: {  	s10 =	sld [smem:$0x3FB7];
	_ =	sdelay $0x3  }
0x33: {  	p0 =	seq.s32 s10, $0x1;
	s10 =	sld [smem:$0x3FB9];
	_ =	sdelay $0x3  }
0x34: {  	[smem:$0x3FB9] =	sst s10  }
0x35: {  	s10 =	sld [smem:$0x3FB8];
	_ =	sdelay $0x3  }
0x36: {  	p1 =	seq.s32 s10, $0x1;
	s10 =	sld [smem:$0x3FB9];
	_ =	sdelay $0x3  }
0x37: {  	[smem:$0x3FB9] =	sst s10  }
0x38: {  	s10 =	sld [smem:$0x3FBA]  }
0x39: {  	_ = 	snop;
	(pc) =	sbr.ind lr, $3  }
0x3a: {  	_ = 	snop  }
0x3b: {  	_ = 	snop  }
0x3c: {  	p2 =	seq.s32 s10, $0x1;
	s10 =	sld [smem:$0x3FB9]  }
0x3d: {  	_ =	shalt  }
0x3e: {  	_ =	shalt  }
0x3f: {  	_ =	shalt  }
0x40: {  	_ =	shalt  }
0x41: {  	_ =	shalt  }
0x42: {  	_ =	shalt  }
0x43: {  	_ =	shalt  }
0x44: {  	_ =	shalt  }
0x45: {  	_ =	shalt  }
0x46: {  	_ =	shalt  }
0x47: {  	_ =	shalt  }
0x48: {  	_ =	shalt  }
0x49: {  	_ =	shalt  }
0x4a: {  	_ =	shalt  }
0x4b: {  	_ =	shalt  }
0x4c: {  	_ =	shalt  }
0x4d: {  	_ =	shalt  }
0x4e: {  	_ =	shalt  }
0x4f: {  	_ =	shalt  }
0x50: {  	_ =	shalt  }
0x51: {  	_ =	shalt  }
0x52: {  	_ =	shalt  }
0x53: {  	_ =	shalt  }
0x54: {  	_ =	shalt  }
0x55: {  	_ =	shalt  }
0x56: {  	_ =	shalt  }
0x57: {  	_ =	shalt  }
0x58: {  	_ =	shalt  }
0x59: {  	_ =	shalt  }
0x5a: {  	_ =	shalt  }
0x5b: {  	_ =	shalt  }
0x5c: {  	_ =	shalt  }
0x5d: {  	_ =	shalt  }
0x5e: {  	_ =	shalt  }
0x5f: {  	_ =	shalt  }
0x60: {  	_ =	shalt  }
0x61: {  	_ =	shalt  }
0x62: {  	_ =	shalt  }
0x63: {  	_ =	shalt  }
0x64: {  	_ =	shalt  }
0x65: {  	_ =	shalt  }
0x66: {  	_ =	shalt  }
0x67: {  	_ =	shalt  }
0x68: {  	_ =	shalt  }
0x69: {  	_ =	shalt  }
0x6a: {  	_ =	shalt  }
0x6b: {  	_ =	shalt  }
0x6c: {  	_ =	shalt  }
0x6d: {  	_ =	shalt  }
0x6e: {  	_ =	shalt  }
0x6f: {  	_ =	shalt  }
0x70: {  	_ =	shalt  }
0x71: {  	_ =	shalt  }
0x72: {  	_ =	shalt  }
0x73: {  	_ =	shalt  }
0x74: {  	_ =	shalt  }
0x75: {  	_ =	shalt  }
0x76: {  	_ =	shalt  }
0x77: {  	_ =	shalt  }
0x78: {  	_ =	shalt  }
0x79: {  	_ =	shalt  }
0x7a: {  	_ =	shalt  }
0x7b: {  	_ =	shalt  }
0x7c: {  	_ =	shalt  }
0x7d: {  	_ =	shalt  }
0x7e: {  	_ =	shalt  }
0x7f: {  	_ =	shalt  }
0x80: {  	_ =	shalt  }
0x81: {  	_ =	shalt  }
0x82: {  	_ =	shalt  }
0x83: {  	_ =	shalt  }
0x84: {  	_ =	shalt  }
0x85: {  	_ =	shalt  }
0x86: {  	_ =	shalt  }
0x87: {  	_ =	shalt  }
.Lfunc_end0:
.L_simem_size_0:
called_computation_lowered:
.L_overlay_start_0:
0x88: {  	s2 =	sld [smem:$0x3FD9]  }
0x89: {  	s3 =	sld [smem:$0x3FFE];
	_ =	sdelay $0x1  }
0x8a: {  	s1 =	srdreg.scid  }
0x8b: {  	s0 =	sand.u32 $0x1, s1  }
0x8c: {  	s17 =	sshll.u32 s0, $0xA;
	s2 =	sadd.s32 s3, s2  }
0x8d: {  	s2 =	sadd.s32 s2, s17  }
0x8e: {  	[smem:$0x3FC5] =	sst s2  }
0x8f: {  	_ = 	snop  }
0x90: {  	s2 =	sld [smem:$0x3FC9]  }
0x91: {  	s18 =	sld [smem:$0x3FC8]  }
0x92: {  	s4 =	sld [smem:$0x3FC7];
	(tm) =	ssettm $0x1  }
0x93: {  	s5 =	sld [smem:$0x3FFB];
	_ =	sdelay $0x3  }
0x94: {  	_ =	strace s5  }
0x95: {  	s5 =	sld [smem:$0x3FFC];
	_ =	sdelay $0x3  }
0x96: {  	_ =	strace s5  }
0x97: {  	s5 =	sld [smem:$0x3FFD];
	_ =	sdelay $0x3  }
0x98: {  	_ =	strace s5  }
0x99: {  	_ =	strace $0x8FFFFFFF  }
0x9a: {  	s19 =	sld [smem:$0x3FDB];
	_ =	sdelay $0x1  }
0x9b: {  	s6 =	simm.s32 $_scs_section_size  }
0x9c: {  	s7 =	simm.s32 $_size__tile_overlayer_lowered;
	s8 =	simm.s32 $_tile_overlayer_lowered  }
0x9d: {  	s22 =	simm.s32 $0x1BFF;
	s21 =	sshll.u32 s8, $0x1;
	s5 =	sadd.s32 s6, s19  }
0x9e: {  	s9 =	simm.s32 $0x0;
	s20 =	sshll.u32 s7, $0x1;
	s7 =	sadd.s32 s21, s5  }
0x9f: {  	[timem:s9], [sflag:s22] =	dma.local [hbm:s7], s20  }
0xa0: {  	_ =	swait.ge [sflag:s22], s20  }
0xa1: {  	s6 =	ssub.s32 $0x0, s20;
	[sflag:s22] =	ssyncset.done $0x0  }
0xa2: {  	[sflag:s22] =	ssyncadd.s32 s6;
	_ =	sdelay $0x1  }
0xa3: {  	s23 =	simm.s32 $0x1B8B  }
0xa4: {  	_ =	swait.ge [sflag:s23], $0x1  }
0xa5: {  	[sflag:s23] =	ssyncset.done $0x0  }
0xa6: {  	s25 =	simm.s32 $0x1B8E;
	s24 =	sld [smem:$0x3FFE];
	[sflag:s23] =	ssyncadd.s32 $0xFFFFFFFF  }
0xa7: {  	s26 =	simm.s32 $execute0_lowered;
	[smem:$0x3FD2] =	sst s25  }
0xa8: {  	s7 =	sshll.u32 s26, $0x1;
	_ =	strace $0x80000046;
	[dreg:$0x1] =	wrdreg $0xFFFFFFFF  }
0xa9: {  	s28 =	simm.s32 $_size_execute0_lowered;
	s5 =	sadd.s32 s5, s7;
	[dreg:$0x0] =	wrdreg $0x0  }
0xaa: {  	s7 =	sshll.u32 s28, $0x1;
	[dreg:$0x2] =	wrdreg s5  }
0xab: {  	[dreg:$0x3] =	wrdreg s7  }
0xac: {  	[dreg:$0x4] =	wrdreg $0xC0  }
0xad: {  	_ =	task [dreg:s9], $0x5FFFF  }
0xae: {  	[dreg:$0x1] =	wrdreg $0xFFFFFFFF  }
0xaf: {  	[dreg:$0x0] =	wrdreg $0x60  }
0xb0: {  	[dreg:$0x2] =	wrdreg s2  }
0xb1: {  	[dreg:$0x3] =	wrdreg s18  }
0xb2: {  	[dreg:$0x4] =	wrdreg s4  }
0xb3: {  	[dreg:$0x5] =	wrdreg s24  }
0xb4: {  	[dreg:$0x6] =	wrdreg $0x9  }
0xb5: {  	_ =	task.clear_ibuf [dreg:s9], $0x7FFFF;
	_ =	strace $0x90000046  }
0xb6: {  	s29 =	simm.s32 $0x9;
	_ =	strace $0x80000048  }
0xb7: {  	_ =	swait.ge [sflag:s29], $0x1  }
0xb8: {  	[sflag:s29] =	ssyncadd.s32 $0xFFFFFFFF  }
0xb9: {  	_ =	strace $0x90000048  }
0xba: {  	_ =	sfence  }
0xbb: {  	s30 =	sld [smem:$0x0];
	_ =	sdelay $0x2  }
0xbc: {  	s31 =	sshll.u32 s1, $0xD;
	s1 =	sshrl.u32 s1, $0x2  }
0xbd: {  	s3 =	sand.u32 $0x4000, s31;
	s1 =	sadd.s32 s1, s30  }
0xbe: {  	s0 =	sor.u32 s3, s0;
	s1 =	sshll.u32 s1, $0x11  }
0xbf: {  	s0 =	sor.u32 s1, s0  }
0xc0: {  	s0 =	sadd.s32 $0x8F2B, s0  }
0xc1: {  	[sflag:s0] =	ssyncadd.remote.s32 $0x1  }
0xc2: {  	_ =	sfence.sel $0xFFFF  }
0xc3: {  	[dreg:$0x0] =	wrdreg $0xFFFFFFFF;
	(pc) =	sbr.abs _section_cstart, $3  }
0xc4: {  	[dreg:$0x1] =	wrdreg $0xFFFFFFFF  }
0xc5: {  	_ =	task.clear_ibuf [dreg:s9], $0x2FFFF;
	_ =	strace $0x9FFFFFFF  }
0xc6: {  	(tm) =	ssettm $0x7FFFFFFF  }
0xc7: {  	_ =	shalt  }
tec
execute0_lowered:
.L_overlay_start_1:
0x0: {  	(tag) =	ssettag $0x1  }
0x1: {  	s1 =	rddreg [dreg:$0x0]  }
0x2: {  	s4 =	rddreg [dreg:$0x1]  }
0x3: {  	s5 =	rddreg [dreg:$0x2]  }
0x4: {  	s6 =	rddreg [dreg:$0x3]  }
0x5: {  	s0 =	rddreg [dreg:$0x4]  }
0x6: {  	v0 =	vimm.s32 $0xFEDCBA98;
	s7 =	srdreg.scid;
	s2 =	stileid.u32;
	v1 =	vimm.s32 $0x76543210;
	v2 =	vimm.s32 $0xBA98FEDC  }
0x7: {  	s3 =	simm.s32 $0x0;
	v3 =	vimm.s32 $0x32107654;
	v4 =	vimm.s32 $0xDCFE98BA;
	s11 =	simm.s32 $0x4F00;
	s12 =	simm.s32 $0x11700  }
0x8: {  	v5 =	vimm.s32 $0x54761032;
	v6 =	vimm.s32 $0xEFCDAB89;
	s13 =	simm.s32 $0x1;
	s14 =	simm.s32 $0x3;
	s15 =	simm.s32 $0xB300  }
0x9: {  	v7 =	vimm.s32 $0x67452301;
	s16 =	simm.s32 $0x17B00;
	s17 =	simm.s32 $0x2;
	s18 =	simm.s32 $0x4;
	v0 =	vunpack.c.l.s4.s8 v0;
	v1 =	vunpack.c.l.s4.s8 v1  }
0xa: {  	s19 =	simm.s32 $0x2648;
	s20 =	simm.s32 $0x4DC8;
	s21 =	simm.s32 $0x1DF00;
	v2 =	vunpack.c.l.s4.s8 v2;
	v3 =	vunpack.c.l.s4.s8 v3;
	v4 =	vunpack.c.l.s4.s8 v4  }
0xb: {  	s22 =	simm.s32 $0x0;
	s7 =	sand.u32 $0x1, s7;
	s8 =	sshll.u32 s2, $0x1;
	v5 =	vunpack.c.l.s4.s8 v5;
	v6 =	vunpack.c.l.s4.s8 v6;
	v7 =	vunpack.c.l.s4.s8 v7  }
0xc: {  	[smem:$0x7FF] =	sst s3;
	s8 =	sor.u32 s7, s8;
	s7 =	ssub.s32 $0x2, s7;
	v0 =	vunpack.c.0.s8.s32 v0;
	v1 =	vunpack.c.0.s8.s32 v1;
	v2 =	vunpack.c.0.s8.s32 v2  }
0xd: {  	s9 =	smul.u32 $0x4E2, s8;
	s10 =	sshrl.u32 s7, $0x1;
	s8 =	sshll.u32 s8, $0x4;
	v3 =	vunpack.c.0.s8.s32 v3;
	v4 =	vunpack.c.0.s8.s32 v4;
	v5 =	vunpack.c.0.s8.s32 v5  }
0xe: {  	_ =	strace $0x80000047;
	v6 =	vunpack.c.0.s8.s32 v6;
	v7 =	vunpack.c.0.s8.s32 v7;
	s7 =	ssub.s32 s7, s10;
	s6 =	sadd.s32 s6, s8;
	v0 =	vand.u32 $0xF, v0  }
0xf: {  	s8 =	simm.s32 $0x5;
	s10 =	simm.s32 $0xC8;
	s4 =	sadd.s32 s4, s9;
	v0 =	vcombine.low v0, v1;
	v1 =	vcombine.low v3, v2  }
0x10: {  	s5 =	sadd.s32 s5, s9;
	s7 =	smax.u32 s7, $0x1;
	s9 =	simm.s32 $0x2780;
	v2 =	vcombine.low v5, v4;
	v3 =	vcombine.low v7, v6  }
.LBB2_1:
0x11: {  	[tilespmem:s3], [sflag:$0x5] =	stream.linear.gather [hbm4b:s4+s3], $0x2710, $0x38;
	[tilespmem:$0x1DF80] =	vst v63  }
0x12: {  	_ =	swait.ge [sflag:s8], $0x2710  }
0x13: {  	[sflag:s8] =	ssyncset.done $0x0  }
0x14: {  	[sflag:s8] =	ssyncadd.s32 $0xFFFFD8F0  }
0x15: {  	[tilespmem:s9], [sflag:$0x5] =	stream.linear.gather [hbm4b:s5+s3], $0x2710, $0x38;
	[tilespmem:$0x1DF80] =	vst v63  }
0x16: {  	_ =	swait.ge [sflag:s8], $0x2710  }
0x17: {  	[sflag:s8] =	ssyncset.done $0x0  }
0x18: {  	[sflag:s8] =	ssyncadd.s32 $0xFFFFD8F0  }
0x19: {  	[tilespmem:s11], [sflag:$0x1] =	stream.indirect.gather [hbm4b:s1+s10], $0x80, s3, s10, $0xb8;
	[tilespmem:$0x1DF80] =	vst v63  }
0x1a: {  	s23 =	simm.s32 $0x0  }
0x1b: {  	v4 =	vimm.f32 $0.0e+00;
	v5 =	vimm.f32 $0.0e+00;
	[tilespmem:s12], [sflag:$0x3] =	stream.indirect.gather [hbm4b:s1+s10], $0x80, s9, s10, $0xb8;
	[tilespmem:$0x1DF80] =	vst v63  }
.LBB2_2:
0x1c: {  	_ =	swait.ge [sflag:s13], $0x6400  }
0x1d: {  	[sflag:s13] =	ssyncset.done $0x0  }
0x1e: {  	[sflag:s13] =	ssyncadd.s32 $0xFFFF9C00  }
0x1f: {  	s24 =	smul.u32 $0x190, s23;
	_ =	swait.ge [sflag:s14], $0x6400  }
0x20: {  	[sflag:s14] =	ssyncset.done $0x0  }
0x21: {  	s25 =	sadd.s32 $0xC8, s24;
	[sflag:s14] =	ssyncadd.s32 $0xFFFF9C00  }
0x22: {  	[tilespmem:s15], [sflag:$0x2] =	stream.indirect.gather [hbm4b:s1+s10], $0x80, s25, s10, $0xb8;
	[tilespmem:$0x1DF80] =	vst v63  }
0x23: {  	s26 =	simm.s32 $0x0;
	s31 =	sadd.s32 $0x2848, s24  }
0x24: {  	[tilespmem:s16], [sflag:$0x4] =	stream.indirect.gather [hbm4b:s1+s10], $0x80, s31, s10, $0xb8;
	[tilespmem:$0x1DF80] =	vst v63  }
0x25: {  	v6 =	vld [tilespmem:s26+$0x4F40]  }
0x26: {  	v7 =	vld [tilespmem:s26+$0x11740]  }
0x27: {  	v8 =	vld [tilespmem:s26+$0x4F50]  }
0x28: {  	v9 =	vld [tilespmem:s26+$0x11750];
	_ =	sdelay $0x1  }
0x29: {  	v10 =	vshll.u32 v6, $0x10  }
0x2a: {  	v11 =	vld [tilespmem:s26+$0x4F60];
	v6 =	vand.u32 $0xFFFF0000, v6;
	v12 =	vshll.u32 v7, $0x10;
	v7 =	vand.u32 $0xFFFF0000, v7  }
0x2b: {  	v13 =	vld [tilespmem:s26+$0x11760];
	v10 =	vsub.f32 v10, v12;
	v6 =	vsub.f32 v6, v7  }
0x2c: {  	v7 =	vshll.u32 v8, $0x10;
	v12 =	vshll.u32 v9, $0x10  }
0x2d: {  	v20 =	vld [tilespmem:s26+$0x11700];
	v7 =	vsub.f32 v7, v12;
	v10 =	vmul.f32 v10, v10;
	v6 =	vmul.f32 v6, v6  }
0x2e: {  	v8 =	vand.u32 $0xFFFF0000, v8;
	v9 =	vand.u32 $0xFFFF0000, v9;
	v12 =	vld [tilespmem:s26+$0x4F70]  }
0x2f: {  	v8 =	vsub.f32 v8, v9;
	v9 =	vld [tilespmem:s26+$0x11770];
	v7 =	vmul.f32 v7, v7;
	v6 =	vadd.f32 v6, v10  }
0x30: {  	v14 =	vshll.u32 v13, $0x10;
	v10 =	vshll.u32 v11, $0x10  }
0x31: {  	v15 =	vld [tilespmem:s26+$0x4F30];
	v10 =	vsub.f32 v10, v14;
	v6 =	vadd.f32 v7, v6;
	v7 =	vmul.f32 v8, v8  }
0x32: {  	v8 =	vand.u32 $0xFFFF0000, v11;
	v11 =	vand.u32 $0xFFFF0000, v13  }
0x33: {  	v14 =	vld [tilespmem:s26+$0x11730];
	v8 =	vsub.f32 v8, v11;
	v6 =	vadd.f32 v6, v7;
	v7 =	vmul.f32 v10, v10  }
0x34: {  	v19 =	vld [tilespmem:s26+$0x4F00];
	v22 =	vshll.u32 v20, $0x10;
	v11 =	vshll.u32 v9, $0x10;
	v10 =	vshll.u32 v12, $0x10  }
0x35: {  	v21 =	vld [tilespmem:s26+$0x4F10];
	v10 =	vsub.f32 v10, v11;
	v6 =	vadd.f32 v7, v6;
	v7 =	vmul.f32 v8, v8  }
0x36: {  	v17 =	vld [tilespmem:s26+$0x11720];
	v9 =	vand.u32 $0xFFFF0000, v9;
	v11 =	vand.u32 $0xFFFF0000, v12;
	v8 =	vand.u32 $0xFFFF0000, v15  }
0x37: {  	v13 =	vsub.f32 v11, v9;
	v10 =	vmul.f32 v10, v10;
	v6 =	vadd.f32 v6, v7  }
0x38: {  	v26 =	vld [tilespmem:s26+$0x11710];
	v9 =	vshll.u32 v14, $0x10;
	v11 =	vand.u32 $0xFFFF0000, v14;
	v7 =	vshll.u32 v15, $0x10  }
0x39: {  	s25 =	simm.s32 $0x80;
	v16 =	vld [tilespmem:s26+$0x4F20];
	v14 =	vmul.f32 v13, v13;
	v15 =	vshll.u32 v19, $0x10;
	v6 =	vadd.f32 v10, v6  }
0x3a: {  	v18 =	vld [tilespmem:s25+$0x4F50];
	v20 =	vand.u32 $0xFFFF0000, v20;
	v25 =	vshll.u32 v21, $0x10;
	v15 =	vmul.f32 v22, v15  }
0x3b: {  	v23 =	vand.u32 $0xFFFF0000, v21;
	v13 =	vand.u32 $0xFFFF0000, v17;
	v10 =	vld [tilespmem:s25+$0x4F60];
	v6 =	vadd.f32 v6, v14  }
0x3c: {  	v14 =	vand.u32 $0xFFFF0000, v19;
	v19 =	vshll.u32 v17, $0x10;
	v17 =	vadd.f32 $0.0e+00, v15;
	v15 =	vld [tilespmem:s25+$0x11750]  }
0x3d: {  	v21 =	vshll.u32 v26, $0x10;
	v14 =	vmul.f32 v20, v14;
	v20 =	vld [tilespmem:s25+$0x4F40];
	v22 =	vperm.xlane v6, v0  }
0x3e: {  	v26 =	vand.u32 $0xFFFF0000, v26;
	v25 =	vmul.f32 v21, v25  }
0x3f: {  	v12 =	vand.u32 $0xFFFF0000, v16;
	v24 =	vadd.f32 v17, v14;
	v21 =	vadd.f32 v6, v22;
	v22 =	vld [tilespmem:s25+$0x11740]  }
0x40: {  	s26 =	simm.s32 $0x400;
	v16 =	vshll.u32 v16, $0x10;
	v17 =	vand.u32 $0xFFFF0000, v18;
	v14 =	vshll.u32 v10, $0x10  }
.LBB2_3:
0x41: {  	p0 =	sne.s32 s26, $0x18E00;
	v24 =	vadd.f32 v25, v24;
	v23 =	vmul.f32 v26, v23;
	v25 =	vperm.xlane v21, v1  }
0x42: {  	v18 =	vshll.u32 v18, $0x10;
	v27 =	vand.u32 $0xFFFF0000, v15;
	v26 =	vshll.u32 v20, $0x10  }
0x43: {  	v16 =	vmul.f32 v19, v16;
	v23 =	vadd.f32 v24, v23;
	v19 =	vadd.f32 v21, v25  }
0x44: {  	v20 =	vand.u32 $0xFFFF0000, v20;
	v21 =	vshll.u32 v22, $0x10;
	v22 =	vand.u32 $0xFFFF0000, v22  }
0x45: {  	v12 =	vmul.f32 v13, v12;
	v24 =	vld [tilespmem:s25+$0x11760];
	v16 =	vadd.f32 v16, v23;
	v13 =	vperm.xlane v19, v2  }
0x46: {  	v8 =	vmul.f32 v11, v8;
	v21 =	vsub.f32 v26, v21;
	v20 =	vsub.f32 v20, v22  }
0x47: {  	v7 =	vmul.f32 v9, v7;
	v11 =	vadd.f32 v16, v12;
	v9 =	vadd.f32 v19, v13  }
0x48: {  	v15 =	vshll.u32 v15, $0x10;
	v12 =	vmul.f32 v21, v21;
	v13 =	vmul.f32 v20, v20  }
0x49: {  	v15 =	vsub.f32 v18, v15;
	v7 =	vadd.f32 v7, v11;
	v11 =	vperm.xlane v9, v3  }
0x4a: {  	v12 =	vadd.f32 v13, v12;
	v13 =	vsub.f32 v17, v27;
	v16 =	vshll.u32 v24, $0x10;
	v17 =	vld [tilespmem:s25+$0x4F70]  }
0x4b: {  	v15 =	vmul.f32 v15, v15;
	v18 =	vld [tilespmem:s25+$0x11770];
	v7 =	vadd.f32 v7, v8;
	v8 =	vadd.f32 v9, v11  }
0x4c: {  	v10 =	vand.u32 $0xFFFF0000, v10;
	v11 =	vand.u32 $0xFFFF0000, v24;
	v14 =	vsub.f32 v14, v16;
	v9 =	vld [tilespmem:s25+$0x4F30]  }
0x4d: {  	v12 =	vadd.f32 v15, v12;
	v13 =	vmul.f32 v13, v13;
	v16 =	vld [tilespmem:s25+$0x11730];
	v7 =	vmul.f32 v8, v7  }
0x4e: {  	v5 =	vadd.f32 v6, v5;
	v8 =	vsub.f32 v10, v11;
	v15 =	vld [tilespmem:s25+$0x4F20]  }
0x4f: {  	v6 =	vadd.f32 v12, v13;
	v10 =	vmul.f32 v14, v14;
	v19 =	vld [tilespmem:s25+$0x11720];
	v4 =	vadd.f32 v7, v4  }
0x50: {  	v7 =	vshll.u32 v17, $0x10;
	v14 =	vld [tilespmem:s25+$0x4F00];
	v11 =	vshll.u32 v18, $0x10  }
0x51: {  	v6 =	vadd.f32 v10, v6;
	v10 =	vmul.f32 v8, v8;
	v20 =	vld [tilespmem:s25+$0x11700];
	v7 =	vsub.f32 v7, v11  }
0x52: {  	v12 =	vand.u32 $0xFFFF0000, v18;
	v8 =	vand.u32 $0xFFFF0000, v9;
	v11 =	vand.u32 $0xFFFF0000, v17  }
0x53: {  	v6 =	vadd.f32 v6, v10;
	v10 =	vsub.f32 v11, v12;
	v13 =	vmul.f32 v7, v7  }
0x54: {  	v11 =	vand.u32 $0xFFFF0000, v16;
	v7 =	vshll.u32 v9, $0x10;
	v9 =	vshll.u32 v16, $0x10;
	v17 =	vld [tilespmem:s25+$0x4F10]  }
0x55: {  	v12 =	vand.u32 $0xFFFF0000, v15;
	v21 =	vmul.f32 v10, v10;
	v26 =	vld [tilespmem:s25+$0x11710];
	s25 =	sshra.s32 s26, $0x2;
	v6 =	vadd.f32 v13, v6  }
0x56: {  	v16 =	vshll.u32 v14, $0x10;
	v13 =	vand.u32 $0xFFFF0000, v19;
	v10 =	vld [tilespmem:s25+$0x4F60];
	v22 =	vshll.u32 v20, $0x10  }
0x57: {  	v18 =	vld [tilespmem:s25+$0x4F50];
	v22 =	vmul.f32 v22, v16;
	v16 =	vshll.u32 v15, $0x10;
	v6 =	vadd.f32 v6, v21  }
.Ltmp0:
0x58: {  	v14 =	vand.u32 $0xFFFF0000, v14;
	v19 =	vshll.u32 v19, $0x10;
	v21 =	vand.u32 $0xFFFF0000, v20;
	v15 =	vld [tilespmem:s25+$0x11750];
	(pc) =	sbr.rel @p0 .LBB2_3-.Ltmp0, $4  }
0x59: {  	v14 =	vmul.f32 v21, v14;
	v20 =	vld [tilespmem:s25+$0x4F40];
	v24 =	vadd.f32 $0.0e+00, v22;
	v21 =	vperm.xlane v6, v0  }
0x5a: {  	v25 =	vshll.u32 v17, $0x10;
	v23 =	vand.u32 $0xFFFF0000, v17;
	v17 =	vshll.u32 v26, $0x10  }
0x5b: {  	v22 =	vld [tilespmem:s25+$0x11740];
	v24 =	vadd.f32 v24, v14;
	v25 =	vmul.f32 v17, v25;
	v21 =	vadd.f32 v6, v21  }
0x5c: {  	s26 =	sadd.s32 $0x200, s26;
	v26 =	vand.u32 $0xFFFF0000, v26;
	v14 =	vshll.u32 v10, $0x10;
	v17 =	vand.u32 $0xFFFF0000, v18  }
0x5d: {  	_ = 	snop  }
0x5e: {  	v24 =	vadd.f32 v25, v24;
	v23 =	vmul.f32 v26, v23  }
0x5f: {  	v25 =	vperm.xlane v21, v1;
	v18 =	vshll.u32 v18, $0x10;
	v26 =	vshll.u32 v20, $0x10  }
0x60: {  	v20 =	vand.u32 $0xFFFF0000, v20;
	v27 =	vshll.u32 v22, $0x10;
	v22 =	vand.u32 $0xFFFF0000, v22  }
0x61: {  	v16 =	vmul.f32 v19, v16;
	v26 =	vsub.f32 v26, v27;
	v20 =	vsub.f32 v20, v22;
	v22 =	vld [tilespmem:s25+$0x11760]  }
0x62: {  	v12 =	vmul.f32 v13, v12;
	v27 =	vand.u32 $0xFFFF0000, v15;
	v15 =	vshll.u32 v15, $0x10  }
0x63: {  	v15 =	vsub.f32 v18, v15;
	v19 =	vmul.f32 v26, v26;
	v20 =	vmul.f32 v20, v20  }
0x64: {  	v13 =	vld [tilespmem:s25+$0x4F70];
	v8 =	vmul.f32 v11, v8;
	v10 =	vand.u32 $0xFFFF0000, v10;
	v23 =	vadd.f32 v24, v23  }
0x65: {  	v17 =	vsub.f32 v17, v27;
	v15 =	vmul.f32 v15, v15;
	v19 =	vadd.f32 v20, v19;
	v20 =	vld [tilespmem:s25+$0x11770]  }
0x66: {  	v7 =	vmul.f32 v9, v7;
	v16 =	vadd.f32 v16, v23;
	v11 =	vshll.u32 v22, $0x10  }
0x67: {  	v17 =	vmul.f32 v17, v17;
	v11 =	vsub.f32 v14, v11;
	v15 =	vadd.f32 v15, v19  }
0x68: {  	v18 =	vadd.f32 v21, v25;
	v12 =	vadd.f32 v16, v12;
	v16 =	vand.u32 $0xFFFF0000, v22;
	v19 =	vld [tilespmem:s25+$0x4F00]  }
0x69: {  	v10 =	vsub.f32 v10, v16;
	v16 =	vld [tilespmem:s25+$0x11700];
	v15 =	vadd.f32 v15, v17;
	v11 =	vmul.f32 v11, v11  }
0x6a: {  	v9 =	vld [tilespmem:s25+$0x4F20];
	v21 =	vperm.xlane v18, v2;
	v17 =	vshll.u32 v13, $0x10;
	v22 =	vshll.u32 v20, $0x10  }
0x6b: {  	v24 =	vld [tilespmem:s25+$0x11720];
	v10 =	vmul.f32 v10, v10;
	v11 =	vadd.f32 v11, v15;
	v15 =	vsub.f32 v17, v22  }
0x6c: {  	v13 =	vand.u32 $0xFFFF0000, v13;
	v17 =	vadd.f32 v18, v21;
	v18 =	vand.u32 $0xFFFF0000, v20;
	v20 =	vld [tilespmem:s25+$0x4F10]  }
0x6d: {  	v10 =	vadd.f32 v11, v10;
	v11 =	vsub.f32 v13, v18;
	v13 =	vmul.f32 v15, v15;
	v15 =	vld [tilespmem:s25+$0x11710]  }
0x6e: {  	v23 =	vld [tilespmem:s25+$0x4F30];
	v7 =	vadd.f32 v7, v12;
	v12 =	vshll.u32 v19, $0x10;
	v18 =	vshll.u32 v16, $0x10  }
0x6f: {  	v14 =	vld [tilespmem:s25+$0x11730];
	_ =	swait.ge [sflag:s17], $0x6400;
	v12 =	vmul.f32 v18, v12;
	v10 =	vadd.f32 v13, v10;
	v11 =	vmul.f32 v11, v11  }
0x70: {  	v7 =	vadd.f32 v7, v8;
	v16 =	vand.u32 $0xFFFF0000, v16;
	[sflag:s17] =	ssyncset.done $0x0;
	v18 =	vand.u32 $0xFFFF0000, v19  }
0x71: {  	[sflag:s17] =	ssyncadd.s32 $0xFFFF9C00;
	v10 =	vadd.f32 v10, v11;
	v11 =	vadd.f32 $0.0e+00, v12;
	v12 =	vmul.f32 v16, v18  }
0x72: {  	v13 =	vperm.xlane v17, v3;
	_ =	swait.ge [sflag:s18], $0x6400;
	v8 =	vshll.u32 v20, $0x10;
	v16 =	vshll.u32 v15, $0x10  }
0x73: {  	[sflag:s18] =	ssyncset.done $0x0;
	v18 =	vperm.xlane v10, v0;
	v11 =	vadd.f32 v11, v12;
	v8 =	vmul.f32 v16, v8  }
0x74: {  	s29 =	sadd.s32 $0x190, s24;
	[sflag:s18] =	ssyncadd.s32 $0xFFFF9C00;
	v15 =	vand.u32 $0xFFFF0000, v15;
	v12 =	vadd.f32 v17, v13;
	v13 =	vand.u32 $0xFFFF0000, v20  }
0x75: {  	[tilespmem:s11], [sflag:$0x1] =	stream.indirect.gather [hbm4b:s1+s10], $0x80, s29, s10, $0xb8;
	v16 =	vadd.f32 v10, v18;
	v8 =	vadd.f32 v8, v11;
	v11 =	vmul.f32 v15, v13;
	[tilespmem:$0x1DF80] =	vst v63  }
0x76: {  	s30 =	sadd.s32 $0x2910, s24;
	s31 =	simm.s32 $0x0;
	v7 =	vmul.f32 v12, v7;
	v12 =	vshll.u32 v9, $0x10;
	v13 =	vshll.u32 v24, $0x10  }
0x77: {  	[tilespmem:s12], [sflag:$0x3] =	stream.indirect.gather [hbm4b:s1+s10], $0x80, s30, s10, $0xb8;
	v15 =	vperm.xlane v16, v1;
	v8 =	vadd.f32 v8, v11;
	v11 =	vmul.f32 v13, v12;
	[tilespmem:$0x1DF80] =	vst v63  }
0x78: {  	v9 =	vand.u32 $0xFFFF0000, v9;
	v17 =	vld [tilespmem:s31+$0xB340];
	v12 =	vand.u32 $0xFFFF0000, v23;
	v13 =	vand.u32 $0xFFFF0000, v24  }
0x79: {  	v9 =	vmul.f32 v13, v9;
	v15 =	vadd.f32 v16, v15;
	v8 =	vadd.f32 v11, v8;
	v11 =	vld [tilespmem:s31+$0x17B40]  }
0x7a: {  	v18 =	vld [tilespmem:s31+$0xB350];
	v13 =	vshll.u32 v23, $0x10;
	v16 =	vshll.u32 v14, $0x10;
	v14 =	vand.u32 $0xFFFF0000, v14  }
0x7b: {  	v19 =	vperm.xlane v15, v2;
	v8 =	vadd.f32 v8, v9;
	v9 =	vmul.f32 v16, v13;
	v13 =	vld [tilespmem:s31+$0x17B50]  }
0x7c: {  	v5 =	vadd.f32 v6, v5;
	v6 =	vadd.f32 v7, v4;
	v4 =	vmul.f32 v14, v12  }
0x7d: {  	v14 =	vand.u32 $0xFFFF0000, v17;
	v7 =	vadd.f32 v15, v19;
	v8 =	vadd.f32 v9, v8  }
0x7e: {  	v12 =	vld [tilespmem:s31+$0xB360];
	v9 =	vshll.u32 v17, $0x10;
	v15 =	vshll.u32 v11, $0x10;
	v11 =	vand.u32 $0xFFFF0000, v11  }
0x7f: {  	v17 =	vld [tilespmem:s31+$0x17B60];
	v16 =	vperm.xlane v7, v3;
	v9 =	vsub.f32 v9, v15;
	v11 =	vsub.f32 v14, v11  }
0x80: {  	v4 =	vadd.f32 v8, v4;
	v8 =	vshll.u32 v18, $0x10;
	v14 =	vshll.u32 v13, $0x10  }
0x81: {  	v21 =	vld [tilespmem:s31+$0xB300];
	v9 =	vmul.f32 v9, v9;
	v11 =	vmul.f32 v11, v11;
	v8 =	vsub.f32 v8, v14  }
0x82: {  	v26 =	vld [tilespmem:s31+$0x17B10];
	v13 =	vand.u32 $0xFFFF0000, v13;
	v7 =	vadd.f32 v7, v16;
	v14 =	vand.u32 $0xFFFF0000, v18  }
0x83: {  	v15 =	vld [tilespmem:s31+$0xB370];
	v9 =	vadd.f32 v11, v9;
	v11 =	vsub.f32 v14, v13;
	v8 =	vmul.f32 v8, v8  }
0x84: {  	v13 =	vld [tilespmem:s31+$0x17B70];
	v7 =	vmul.f32 v7, v4;
	v4 =	vshll.u32 v12, $0x10;
	v14 =	vshll.u32 v17, $0x10  }
0x85: {  	v14 =	vsub.f32 v4, v14;
	v4 =	vadd.f32 v10, v5;
	v5 =	vand.u32 $0xFFFF0000, v12  }
0x86: {  	v16 =	vld [tilespmem:s31+$0xB330];
	v10 =	vand.u32 $0xFFFF0000, v17;
	v8 =	vadd.f32 v8, v9;
	v9 =	vmul.f32 v11, v11  }
0x87: {  	v25 =	vshll.u32 v26, $0x10;
	v18 =	vld [tilespmem:s31+$0x17B30];
	v10 =	vsub.f32 v5, v10  }
0x88: {  	v17 =	vld [tilespmem:s31+$0xB320];
	v5 =	vadd.f32 v7, v6;
	v8 =	vadd.f32 v8, v9;
	v9 =	vmul.f32 v14, v14  }
0x89: {  	v22 =	vld [tilespmem:s31+$0x17B00];
	v6 =	vshll.u32 v15, $0x10;
	v14 =	vshll.u32 v21, $0x10;
	v7 =	vshll.u32 v13, $0x10  }
0x8a: {  	v8 =	vadd.f32 v9, v8;
	v9 =	vmul.f32 v10, v10;
	v6 =	vsub.f32 v6, v7  }
0x8b: {  	v20 =	vld [tilespmem:s31+$0x17B20];
	v11 =	vand.u32 $0xFFFF0000, v13;
	v7 =	vand.u32 $0xFFFF0000, v16;
	v10 =	vand.u32 $0xFFFF0000, v15  }
0x8c: {  	v23 =	vld [tilespmem:s31+$0xB310];
	v11 =	vsub.f32 v10, v11;
	v13 =	vadd.f32 v8, v9;
	v6 =	vmul.f32 v6, v6  }
0x8d: {  	v12 =	vand.u32 $0xFFFF0000, v17;
	v10 =	vand.u32 $0xFFFF0000, v18;
	v8 =	vshll.u32 v16, $0x10  }
0x8e: {  	s24 =	simm.s32 $0x80;
	v16 =	vshll.u32 v22, $0x10;
	v15 =	vmul.f32 v11, v11;
	v6 =	vadd.f32 v6, v13  }
0x8f: {  	v19 =	vld [tilespmem:s24+$0xB350];
	v9 =	vshll.u32 v18, $0x10;
	v18 =	vand.u32 $0xFFFF0000, v22;
	v16 =	vmul.f32 v16, v14  }
0x90: {  	v11 =	vld [tilespmem:s24+$0xB360];
	v14 =	vshll.u32 v17, $0x10;
	v17 =	vand.u32 $0xFFFF0000, v21;
	v6 =	vadd.f32 v6, v15  }
0x91: {  	v24 =	vshll.u32 v23, $0x10;
	v22 =	vld [tilespmem:s24+$0xB340];
	v13 =	vand.u32 $0xFFFF0000, v20;
	v17 =	vmul.f32 v18, v17  }
0x92: {  	v15 =	vshll.u32 v20, $0x10;
	v20 =	vadd.f32 $0.0e+00, v16;
	v16 =	vld [tilespmem:s24+$0x17B50];
	v18 =	vperm.xlane v6, v0  }
0x93: {  	v24 =	vmul.f32 v25, v24  }
0x94: {  	v25 =	vld [tilespmem:s24+$0x17B40];
	v21 =	vand.u32 $0xFFFF0000, v23;
	v23 =	vadd.f32 v20, v17;
	v18 =	vadd.f32 v6, v18  }
0x95: {  	s25 =	simm.s32 $0x400;
	v26 =	vand.u32 $0xFFFF0000, v26;
	v20 =	vand.u32 $0xFFFF0000, v19;
	v17 =	vshll.u32 v11, $0x10  }
.LBB2_5:
0x96: {  	p0 =	sne.s32 s25, $0x18E00;
	v23 =	vadd.f32 v24, v23;
	v21 =	vmul.f32 v26, v21;
	v24 =	vperm.xlane v18, v1  }
0x97: {  	v19 =	vshll.u32 v19, $0x10;
	v27 =	vand.u32 $0xFFFF0000, v16;
	v26 =	vshll.u32 v22, $0x10  }
0x98: {  	v14 =	vmul.f32 v15, v14;
	v21 =	vadd.f32 v23, v21;
	v15 =	vadd.f32 v18, v24  }
0x99: {  	v18 =	vand.u32 $0xFFFF0000, v22;
	v22 =	vshll.u32 v25, $0x10;
	v23 =	vand.u32 $0xFFFF0000, v25  }
0x9a: {  	v12 =	vmul.f32 v13, v12;
	v24 =	vld [tilespmem:s24+$0x17B60];
	v14 =	vadd.f32 v14, v21;
	v13 =	vperm.xlane v15, v2  }
0x9b: {  	v7 =	vmul.f32 v10, v7;
	v21 =	vsub.f32 v26, v22;
	v18 =	vsub.f32 v18, v23  }
0x9c: {  	v8 =	vmul.f32 v9, v8;
	v10 =	vadd.f32 v14, v12;
	v9 =	vadd.f32 v15, v13  }
0x9d: {  	v12 =	vmul.f32 v21, v21;
	v13 =	vmul.f32 v18, v18;
	v14 =	vshll.u32 v16, $0x10  }
0x9e: {  	v14 =	vsub.f32 v19, v14;
	v8 =	vadd.f32 v8, v10;
	v10 =	vperm.xlane v9, v3  }
0x9f: {  	v12 =	vadd.f32 v13, v12;
	v13 =	vsub.f32 v20, v27;
	v15 =	vshll.u32 v24, $0x10;
	v16 =	vld [tilespmem:s24+$0xB370]  }
0xa0: {  	v14 =	vmul.f32 v14, v14;
	v18 =	vld [tilespmem:s24+$0x17B70];
	v7 =	vadd.f32 v8, v7;
	v8 =	vadd.f32 v9, v10  }
0xa1: {  	v10 =	vand.u32 $0xFFFF0000, v11;
	v11 =	vand.u32 $0xFFFF0000, v24;
	v15 =	vsub.f32 v17, v15;
	v9 =	vld [tilespmem:s24+$0xB330]  }
0xa2: {  	v13 =	vmul.f32 v13, v13;
	v12 =	vadd.f32 v14, v12;
	v17 =	vld [tilespmem:s24+$0x17B30];
	v7 =	vmul.f32 v8, v7  }
0xa3: {  	v4 =	vadd.f32 v6, v4;
	v8 =	vsub.f32 v10, v11;
	v14 =	vld [tilespmem:s24+$0xB320]  }
0xa4: {  	v10 =	vmul.f32 v15, v15;
	v6 =	vadd.f32 v12, v13;
	v20 =	vld [tilespmem:s24+$0x17B20];
	v5 =	vadd.f32 v7, v5  }
0xa5: {  	v7 =	vshll.u32 v16, $0x10;
	v15 =	vld [tilespmem:s24+$0xB300];
	v11 =	vshll.u32 v18, $0x10  }
0xa6: {  	v8 =	vmul.f32 v8, v8;
	v6 =	vadd.f32 v10, v6;
	v21 =	vld [tilespmem:s24+$0x17B00];
	v10 =	vsub.f32 v7, v11  }
0xa7: {  	v12 =	vand.u32 $0xFFFF0000, v18;
	v7 =	vand.u32 $0xFFFF0000, v9;
	v11 =	vand.u32 $0xFFFF0000, v16  }
0xa8: {  	v6 =	vadd.f32 v6, v8;
	v11 =	vsub.f32 v11, v12;
	v13 =	vmul.f32 v10, v10  }
0xa9: {  	v8 =	vshll.u32 v9, $0x10;
	v9 =	vshll.u32 v17, $0x10;
	v10 =	vand.u32 $0xFFFF0000, v17;
	v18 =	vld [tilespmem:s24+$0xB310]  }
0xaa: {  	v12 =	vand.u32 $0xFFFF0000, v14;
	v16 =	vmul.f32 v11, v11;
	v26 =	vld [tilespmem:s24+$0x17B10];
	s24 =	sshra.s32 s25, $0x2;
	v6 =	vadd.f32 v13, v6  }
0xab: {  	v17 =	vshll.u32 v15, $0x10;
	v13 =	vand.u32 $0xFFFF0000, v20;
	v11 =	vld [tilespmem:s24+$0xB360];
	v22 =	vshll.u32 v21, $0x10  }
0xac: {  	v14 =	vshll.u32 v14, $0x10;
	v19 =	vld [tilespmem:s24+$0xB350];
	v17 =	vmul.f32 v22, v17;
	v6 =	vadd.f32 v6, v16  }
.Ltmp1:
0xad: {  	v23 =	vand.u32 $0xFFFF0000, v15;
	v15 =	vshll.u32 v20, $0x10;
	v21 =	vand.u32 $0xFFFF0000, v21;
	v16 =	vld [tilespmem:s24+$0x17B50];
	(pc) =	sbr.rel @p0 .LBB2_5-.Ltmp1, $4  }
0xae: {  	v20 =	vmul.f32 v21, v23;
	v22 =	vld [tilespmem:s24+$0xB340];
	v17 =	vadd.f32 $0.0e+00, v17;
	v27 =	vperm.xlane v6, v0  }
0xaf: {  	v24 =	vshll.u32 v18, $0x10;
	v21 =	vand.u32 $0xFFFF0000, v18;
	v18 =	vshll.u32 v26, $0x10  }
0xb0: {  	v25 =	vld [tilespmem:s24+$0x17B40];
	v23 =	vadd.f32 v17, v20;
	v24 =	vmul.f32 v18, v24;
	v18 =	vadd.f32 v6, v27  }
0xb1: {  	s25 =	sadd.s32 $0x200, s25;
	v26 =	vand.u32 $0xFFFF0000, v26;
	v17 =	vshll.u32 v11, $0x10;
	v20 =	vand.u32 $0xFFFF0000, v19  }
0xb2: {  	_ =	sdelay $0x1  }
0xb3: {  	v27 =	vshll.u32 v22, $0x10  }
0xb4: {  	v49 =	vand.u32 $0xFFFF0000, v22;
	v28 =	vshll.u32 v25, $0x10;
	v50 =	vand.u32 $0xFFFF0000, v25  }
0xb5: {  	v51 =	vld [tilespmem:s24+$0x17B60];
	v27 =	vsub.f32 v27, v28;
	v22 =	vsub.f32 v49, v50  }
0xb6: {  	v19 =	vshll.u32 v19, $0x10;
	v52 =	vshll.u32 v16, $0x10  }
0xb7: {  	v19 =	vsub.f32 v19, v52;
	v27 =	vmul.f32 v27, v27;
	v22 =	vmul.f32 v22, v22  }
0xb8: {  	v53 =	vand.u32 $0xFFFF0000, v16;
	v54 =	vld [tilespmem:s24+$0xB370];
	v23 =	vadd.f32 v24, v23  }
0xb9: {  	v55 =	vld [tilespmem:s24+$0x17B70];
	v16 =	vsub.f32 v20, v53;
	v19 =	vmul.f32 v19, v19;
	v22 =	vadd.f32 v22, v27  }
0xba: {  	v21 =	vmul.f32 v26, v21;
	v57 =	vperm.xlane v18, v1;
	v56 =	vshll.u32 v51, $0x10  }
0xbb: {  	v16 =	vmul.f32 v16, v16;
	v17 =	vsub.f32 v17, v56;
	v19 =	vadd.f32 v19, v22  }
0xbc: {  	v11 =	vand.u32 $0xFFFF0000, v11;
	v14 =	vmul.f32 v15, v14;
	v58 =	vand.u32 $0xFFFF0000, v51  }
0xbd: {  	v11 =	vsub.f32 v11, v58;
	v17 =	vmul.f32 v17, v17;
	v16 =	vadd.f32 v19, v16  }
0xbe: {  	v60 =	vld [tilespmem:s24+$0xB300];
	v12 =	vmul.f32 v13, v12;
	v61 =	vshll.u32 v54, $0x10;
	v62 =	vshll.u32 v55, $0x10  }
0xbf: {  	v63 =	vld [tilespmem:s24+$0x17B00];
	v11 =	vmul.f32 v11, v11;
	v27 =	vsub.f32 v61, v62;
	v16 =	vadd.f32 v17, v16  }
0xc0: {  	v31 =	vld [tilespmem:s24+$0xB310];
	v59 =	vadd.f32 v23, v21;
	v28 =	vand.u32 $0xFFFF0000, v54;
	v20 =	vand.u32 $0xFFFF0000, v55  }
0xc1: {  	v32 =	vld [tilespmem:s24+$0x17B10];
	v15 =	vsub.f32 v28, v20;
	v29 =	vmul.f32 v27, v27;
	v11 =	vadd.f32 v16, v11  }
0xc2: {  	v7 =	vmul.f32 v10, v7;
	v8 =	vmul.f32 v9, v8;
	v30 =	vadd.f32 v18, v57  }
0xc3: {  	v37 =	vld [tilespmem:s24+$0xB320];
	v14 =	vadd.f32 v14, v59;
	v15 =	vmul.f32 v15, v15;
	v11 =	vadd.f32 v29, v11  }
0xc4: {  	v40 =	vld [tilespmem:s24+$0x17B20];
	v33 =	vperm.xlane v30, v2;
	v34 =	vshll.u32 v60, $0x10;
	v35 =	vshll.u32 v63, $0x10  }
0xc5: {  	v45 =	vld [tilespmem:s24+$0xB330];
	v38 =	vand.u32 $0xFFFF0000, v60;
	v36 =	vmul.f32 v35, v34;
	v11 =	vadd.f32 v11, v15  }
0xc6: {  	v39 =	vand.u32 $0xFFFF0000, v63;
	v42 =	vshll.u32 v31, $0x10;
	v43 =	vshll.u32 v32, $0x10  }
0xc7: {  	v10 =	vadd.f32 $0.0e+00, v36;
	v15 =	vmul.f32 v39, v38;
	v41 =	vperm.xlane v11, v0  }
0xc8: {  	v46 =	vld [tilespmem:s24+$0x17B30];
	v18 =	vand.u32 $0xFFFF0000, v31;
	v13 =	vand.u32 $0xFFFF0000, v32;
	v49 =	vshll.u32 v37, $0x10  }
0xc9: {  	v9 =	vmul.f32 v43, v42;
	v10 =	vadd.f32 v10, v15;
	v44 =	vadd.f32 v11, v41  }
0xca: {  	v50 =	vshll.u32 v40, $0x10;
	v54 =	vand.u32 $0xFFFF0000, v40;
	v57 =	vshll.u32 v45, $0x10  }
0xcb: {  	v47 =	vmul.f32 v13, v18;
	v9 =	vadd.f32 v9, v10;
	v48 =	vperm.xlane v44, v1  }
0xcc: {  	v12 =	vadd.f32 v14, v12;
	v51 =	vmul.f32 v50, v49;
	v14 =	vand.u32 $0xFFFF0000, v37  }
0xcd: {  	v58 =	vshll.u32 v46, $0x10;
	v9 =	vadd.f32 v9, v47;
	v52 =	vadd.f32 v44, v48  }
0xce: {  	v55 =	vmul.f32 v54, v14;
	v8 =	vadd.f32 v8, v12;
	v61 =	vand.u32 $0xFFFF0000, v45  }
0xcf: {  	v16 =	vadd.f32 v30, v33;
	v9 =	vadd.f32 v51, v9;
	v56 =	vperm.xlane v52, v2  }
0xd0: {  	v62 =	vand.u32 $0xFFFF0000, v46;
	v7 =	vadd.f32 v8, v7;
	v8 =	vmul.f32 v58, v57  }
0xd1: {  	v53 =	vperm.xlane v16, v3;
	v9 =	vadd.f32 v9, v55;
	v59 =	vadd.f32 v52, v56  }
0xd2: {  	v13 =	vmul.f32 v62, v61  }
0xd3: {  	s23 =	sadd.s32 $0x1, s23;
	v60 =	vadd.f32 v16, v53;
	v8 =	vadd.f32 v8, v9;
	v63 =	vperm.xlane v59, v3  }
0xd4: {  	p0 =	sne.s32 s23, $0x18  }
.Ltmp2:
0xd5: {  	v7 =	vmul.f32 v60, v7;
	v8 =	vadd.f32 v8, v13;
	v9 =	vadd.f32 v59, v63;
	(pc) =	sbr.rel @p0 .LBB2_2-.Ltmp2, $3  }
0xd6: {  	_ = 	snop  }
0xd7: {  	v4 =	vadd.f32 v6, v4;
	v6 =	vadd.f32 v7, v5;
	v7 =	vmul.f32 v9, v8;
	_ =	sdelay $0x1  }
0xd8: {  	v5 =	vadd.f32 v11, v4;
	v4 =	vadd.f32 v7, v6  }
0xd9: {  	_ =	swait.ge [sflag:s13], $0x6400  }
0xda: {  	[sflag:s13] =	ssyncset.done $0x0  }
0xdb: {  	[sflag:s13] =	ssyncadd.s32 $0xFFFF9C00  }
0xdc: {  	_ =	swait.ge [sflag:s14], $0x6400  }
0xdd: {  	[sflag:s14] =	ssyncset.done $0x0  }
0xde: {  	[sflag:s14] =	ssyncadd.s32 $0xFFFF9C00  }
0xdf: {  	[tilespmem:s15], [sflag:$0x2] =	stream.indirect.gather [hbm4b:s1+s10], $0x80, s19, s10, $0xb8;
	[tilespmem:$0x1DF80] =	vst v63  }
0xe0: {  	s24 =	simm.s32 $0x0  }
0xe1: {  	[tilespmem:s16], [sflag:$0x4] =	stream.indirect.gather [hbm4b:s1+s10], $0x80, s20, s10, $0xb8;
	[tilespmem:$0x1DF80] =	vst v63  }
0xe2: {  	v6 =	vld [tilespmem:s24+$0x4F40]  }
0xe3: {  	v7 =	vld [tilespmem:s24+$0x11740]  }
0xe4: {  	v8 =	vld [tilespmem:s24+$0x4F50]  }
0xe5: {  	v9 =	vld [tilespmem:s24+$0x11750];
	_ =	sdelay $0x1  }
0xe6: {  	v10 =	vshll.u32 v6, $0x10  }
0xe7: {  	v11 =	vld [tilespmem:s24+$0x4F60];
	v6 =	vand.u32 $0xFFFF0000, v6;
	v12 =	vshll.u32 v7, $0x10;
	v7 =	vand.u32 $0xFFFF0000, v7  }
0xe8: {  	v13 =	vld [tilespmem:s24+$0x11760];
	v10 =	vsub.f32 v10, v12;
	v6 =	vsub.f32 v6, v7  }
0xe9: {  	v7 =	vshll.u32 v8, $0x10;
	v12 =	vshll.u32 v9, $0x10  }
0xea: {  	v20 =	vld [tilespmem:s24+$0x11700];
	v7 =	vsub.f32 v7, v12;
	v10 =	vmul.f32 v10, v10;
	v6 =	vmul.f32 v6, v6  }
0xeb: {  	v8 =	vand.u32 $0xFFFF0000, v8;
	v9 =	vand.u32 $0xFFFF0000, v9;
	v12 =	vld [tilespmem:s24+$0x4F70]  }
0xec: {  	v8 =	vsub.f32 v8, v9;
	v9 =	vld [tilespmem:s24+$0x11770];
	v7 =	vmul.f32 v7, v7;
	v6 =	vadd.f32 v6, v10  }
0xed: {  	v14 =	vshll.u32 v13, $0x10;
	v10 =	vshll.u32 v11, $0x10  }
0xee: {  	v15 =	vld [tilespmem:s24+$0x4F30];
	v10 =	vsub.f32 v10, v14;
	v6 =	vadd.f32 v7, v6;
	v7 =	vmul.f32 v8, v8  }
0xef: {  	v8 =	vand.u32 $0xFFFF0000, v11;
	v11 =	vand.u32 $0xFFFF0000, v13  }
0xf0: {  	v14 =	vld [tilespmem:s24+$0x11730];
	v8 =	vsub.f32 v8, v11;
	v6 =	vadd.f32 v6, v7;
	v7 =	vmul.f32 v10, v10  }
0xf1: {  	v19 =	vld [tilespmem:s24+$0x4F00];
	v22 =	vshll.u32 v20, $0x10;
	v11 =	vshll.u32 v9, $0x10;
	v10 =	vshll.u32 v12, $0x10  }
0xf2: {  	v21 =	vld [tilespmem:s24+$0x4F10];
	v8 =	vmul.f32 v8, v8;
	v10 =	vsub.f32 v10, v11;
	v6 =	vadd.f32 v7, v6  }
0xf3: {  	v17 =	vld [tilespmem:s24+$0x11720];
	v9 =	vand.u32 $0xFFFF0000, v9;
	v11 =	vand.u32 $0xFFFF0000, v12;
	v7 =	vand.u32 $0xFFFF0000, v15  }
0xf4: {  	v13 =	vsub.f32 v11, v9;
	v10 =	vmul.f32 v10, v10;
	v6 =	vadd.f32 v6, v8  }
0xf5: {  	v26 =	vld [tilespmem:s24+$0x11710];
	v9 =	vshll.u32 v14, $0x10;
	v11 =	vand.u32 $0xFFFF0000, v14;
	v8 =	vshll.u32 v15, $0x10  }
0xf6: {  	s23 =	simm.s32 $0x80;
	v16 =	vld [tilespmem:s24+$0x4F20];
	v14 =	vmul.f32 v13, v13;
	v15 =	vshll.u32 v19, $0x10;
	v6 =	vadd.f32 v10, v6  }
0xf7: {  	v18 =	vld [tilespmem:s23+$0x4F50];
	v20 =	vand.u32 $0xFFFF0000, v20;
	v25 =	vshll.u32 v21, $0x10;
	v15 =	vmul.f32 v22, v15  }
0xf8: {  	v23 =	vand.u32 $0xFFFF0000, v21;
	v13 =	vand.u32 $0xFFFF0000, v17;
	v10 =	vld [tilespmem:s23+$0x4F60];
	v6 =	vadd.f32 v6, v14  }
0xf9: {  	v14 =	vand.u32 $0xFFFF0000, v19;
	v19 =	vshll.u32 v17, $0x10;
	v17 =	vadd.f32 $0.0e+00, v15;
	v15 =	vld [tilespmem:s23+$0x11750]  }
0xfa: {  	v21 =	vshll.u32 v26, $0x10;
	v14 =	vmul.f32 v20, v14;
	v20 =	vld [tilespmem:s23+$0x4F40];
	v22 =	vperm.xlane v6, v0  }
0xfb: {  	v26 =	vand.u32 $0xFFFF0000, v26;
	v25 =	vmul.f32 v21, v25  }
0xfc: {  	v12 =	vand.u32 $0xFFFF0000, v16;
	v24 =	vadd.f32 v17, v14;
	v21 =	vadd.f32 v6, v22;
	v22 =	vld [tilespmem:s23+$0x11740]  }
0xfd: {  	s24 =	simm.s32 $0x400;
	v16 =	vshll.u32 v16, $0x10;
	v17 =	vand.u32 $0xFFFF0000, v18;
	v14 =	vshll.u32 v10, $0x10  }
.LBB2_8:
0xfe: {  	p0 =	sne.s32 s24, $0x18E00;
	v24 =	vadd.f32 v25, v24;
	v23 =	vmul.f32 v26, v23;
	v25 =	vperm.xlane v21, v1  }
0xff: {  	v18 =	vshll.u32 v18, $0x10;
	v27 =	vand.u32 $0xFFFF0000, v15;
	v26 =	vshll.u32 v20, $0x10  }
0x100: {  	v16 =	vmul.f32 v19, v16;
	v23 =	vadd.f32 v24, v23;
	v19 =	vadd.f32 v21, v25  }
0x101: {  	v20 =	vand.u32 $0xFFFF0000, v20;
	v21 =	vshll.u32 v22, $0x10;
	v22 =	vand.u32 $0xFFFF0000, v22  }
0x102: {  	v12 =	vmul.f32 v13, v12;
	v24 =	vld [tilespmem:s23+$0x11760];
	v16 =	vadd.f32 v16, v23;
	v13 =	vperm.xlane v19, v2  }
0x103: {  	v7 =	vmul.f32 v11, v7;
	v21 =	vsub.f32 v26, v21;
	v20 =	vsub.f32 v20, v22  }
0x104: {  	v8 =	vmul.f32 v9, v8;
	v11 =	vadd.f32 v16, v12;
	v9 =	vadd.f32 v19, v13  }
0x105: {  	v15 =	vshll.u32 v15, $0x10;
	v12 =	vmul.f32 v21, v21;
	v13 =	vmul.f32 v20, v20  }
0x106: {  	v15 =	vsub.f32 v18, v15;
	v8 =	vadd.f32 v8, v11;
	v11 =	vperm.xlane v9, v3  }
0x107: {  	v12 =	vadd.f32 v13, v12;
	v13 =	vsub.f32 v17, v27;
	v16 =	vshll.u32 v24, $0x10;
	v17 =	vld [tilespmem:s23+$0x4F70]  }
0x108: {  	v15 =	vmul.f32 v15, v15;
	v18 =	vld [tilespmem:s23+$0x11770];
	v7 =	vadd.f32 v8, v7;
	v8 =	vadd.f32 v9, v11  }
0x109: {  	v10 =	vand.u32 $0xFFFF0000, v10;
	v11 =	vand.u32 $0xFFFF0000, v24;
	v14 =	vsub.f32 v14, v16;
	v9 =	vld [tilespmem:s23+$0x4F30]  }
0x10a: {  	v12 =	vadd.f32 v15, v12;
	v13 =	vmul.f32 v13, v13;
	v16 =	vld [tilespmem:s23+$0x11730];
	v7 =	vmul.f32 v8, v7  }
0x10b: {  	v5 =	vadd.f32 v6, v5;
	v8 =	vsub.f32 v10, v11;
	v15 =	vld [tilespmem:s23+$0x4F20]  }
0x10c: {  	v6 =	vadd.f32 v12, v13;
	v10 =	vmul.f32 v14, v14;
	v19 =	vld [tilespmem:s23+$0x11720];
	v4 =	vadd.f32 v7, v4  }
0x10d: {  	v7 =	vshll.u32 v17, $0x10;
	v14 =	vld [tilespmem:s23+$0x4F00];
	v11 =	vshll.u32 v18, $0x10  }
0x10e: {  	v6 =	vadd.f32 v10, v6;
	v8 =	vmul.f32 v8, v8;
	v20 =	vld [tilespmem:s23+$0x11700];
	v10 =	vsub.f32 v7, v11  }
0x10f: {  	v12 =	vand.u32 $0xFFFF0000, v18;
	v7 =	vand.u32 $0xFFFF0000, v9;
	v11 =	vand.u32 $0xFFFF0000, v17  }
0x110: {  	v6 =	vadd.f32 v6, v8;
	v13 =	vsub.f32 v11, v12;
	v10 =	vmul.f32 v10, v10  }
0x111: {  	v8 =	vshll.u32 v9, $0x10;
	v9 =	vshll.u32 v16, $0x10;
	v11 =	vand.u32 $0xFFFF0000, v16;
	v17 =	vld [tilespmem:s23+$0x4F10]  }
0x112: {  	v12 =	vand.u32 $0xFFFF0000, v15;
	v21 =	vmul.f32 v13, v13;
	v26 =	vld [tilespmem:s23+$0x11710];
	s23 =	sshra.s32 s24, $0x2;
	v6 =	vadd.f32 v10, v6  }
0x113: {  	v13 =	vand.u32 $0xFFFF0000, v19;
	v16 =	vshll.u32 v14, $0x10;
	v10 =	vld [tilespmem:s23+$0x4F60];
	v22 =	vshll.u32 v20, $0x10  }
0x114: {  	v18 =	vld [tilespmem:s23+$0x4F50];
	v22 =	vmul.f32 v22, v16;
	v16 =	vshll.u32 v15, $0x10;
	v6 =	vadd.f32 v6, v21  }
.Ltmp3:
0x115: {  	v19 =	vshll.u32 v19, $0x10;
	v14 =	vand.u32 $0xFFFF0000, v14;
	v21 =	vand.u32 $0xFFFF0000, v20;
	v15 =	vld [tilespmem:s23+$0x11750];
	(pc) =	sbr.rel @p0 .LBB2_8-.Ltmp3, $4  }
0x116: {  	v14 =	vmul.f32 v21, v14;
	v20 =	vld [tilespmem:s23+$0x4F40];
	v24 =	vadd.f32 $0.0e+00, v22;
	v21 =	vperm.xlane v6, v0  }
0x117: {  	v25 =	vshll.u32 v17, $0x10;
	v23 =	vand.u32 $0xFFFF0000, v17;
	v17 =	vshll.u32 v26, $0x10  }
0x118: {  	v22 =	vld [tilespmem:s23+$0x11740];
	v24 =	vadd.f32 v24, v14;
	v25 =	vmul.f32 v17, v25;
	v21 =	vadd.f32 v6, v21  }
0x119: {  	s24 =	sadd.s32 $0x200, s24;
	v26 =	vand.u32 $0xFFFF0000, v26;
	v14 =	vshll.u32 v10, $0x10;
	v17 =	vand.u32 $0xFFFF0000, v18  }
0x11a: {  	_ = 	snop  }
0x11b: {  	v24 =	vadd.f32 v25, v24;
	v23 =	vmul.f32 v26, v23  }
0x11c: {  	v25 =	vperm.xlane v21, v1;
	v18 =	vshll.u32 v18, $0x10;
	v26 =	vshll.u32 v20, $0x10  }
0x11d: {  	v20 =	vand.u32 $0xFFFF0000, v20;
	v27 =	vshll.u32 v22, $0x10;
	v22 =	vand.u32 $0xFFFF0000, v22  }
0x11e: {  	v16 =	vmul.f32 v19, v16;
	v26 =	vsub.f32 v26, v27;
	v20 =	vsub.f32 v20, v22;
	v22 =	vld [tilespmem:s23+$0x11760]  }
0x11f: {  	v12 =	vmul.f32 v13, v12;
	v27 =	vand.u32 $0xFFFF0000, v15;
	v15 =	vshll.u32 v15, $0x10  }
0x120: {  	v15 =	vsub.f32 v18, v15;
	v19 =	vmul.f32 v26, v26;
	v20 =	vmul.f32 v20, v20  }
0x121: {  	v13 =	vld [tilespmem:s23+$0x4F70];
	v7 =	vmul.f32 v11, v7;
	v10 =	vand.u32 $0xFFFF0000, v10;
	v23 =	vadd.f32 v24, v23  }
0x122: {  	v17 =	vsub.f32 v17, v27;
	v15 =	vmul.f32 v15, v15;
	v19 =	vadd.f32 v20, v19;
	v20 =	vld [tilespmem:s23+$0x11770]  }
0x123: {  	v8 =	vmul.f32 v9, v8;
	v16 =	vadd.f32 v16, v23;
	v11 =	vshll.u32 v22, $0x10  }
0x124: {  	v11 =	vsub.f32 v14, v11;
	v14 =	vadd.f32 v15, v19;
	v15 =	vmul.f32 v17, v17  }
0x125: {  	v18 =	vadd.f32 v21, v25;
	v12 =	vadd.f32 v16, v12;
	v16 =	vand.u32 $0xFFFF0000, v22;
	v17 =	vld [tilespmem:s23+$0x4F00]  }
0x126: {  	v10 =	vsub.f32 v10, v16;
	v14 =	vadd.f32 v14, v15;
	v11 =	vmul.f32 v11, v11;
	v15 =	vld [tilespmem:s23+$0x11700]  }
0x127: {  	v9 =	vshll.u32 v13, $0x10;
	v21 =	vperm.xlane v18, v2;
	v16 =	vshll.u32 v20, $0x10  }
0x128: {  	v10 =	vmul.f32 v10, v10;
	v11 =	vadd.f32 v11, v14;
	v9 =	vsub.f32 v9, v16  }
0x129: {  	v13 =	vand.u32 $0xFFFF0000, v13;
	v14 =	vadd.f32 v18, v21;
	v16 =	vand.u32 $0xFFFF0000, v20;
	v18 =	vld [tilespmem:s23+$0x4F10]  }
0x12a: {  	v10 =	vadd.f32 v11, v10;
	v11 =	vsub.f32 v13, v16;
	v9 =	vmul.f32 v9, v9;
	v13 =	vld [tilespmem:s23+$0x11710]  }
0x12b: {  	v8 =	vadd.f32 v8, v12;
	v16 =	vshll.u32 v17, $0x10;
	v19 =	vshll.u32 v15, $0x10  }
0x12c: {  	v12 =	vld [tilespmem:s23+$0x4F30];
	v9 =	vadd.f32 v9, v10;
	v10 =	vmul.f32 v11, v11;
	v11 =	vmul.f32 v19, v16  }
0x12d: {  	v7 =	vadd.f32 v8, v7;
	v21 =	vld [tilespmem:s23+$0x11720];
	v17 =	vand.u32 $0xFFFF0000, v17;
	v15 =	vand.u32 $0xFFFF0000, v15  }
0x12e: {  	v19 =	vld [tilespmem:s23+$0x4F20];
	v9 =	vadd.f32 v9, v10;
	v10 =	vadd.f32 $0.0e+00, v11;
	v11 =	vmul.f32 v15, v17  }
0x12f: {  	v20 =	vld [tilespmem:s23+$0x11730];
	v16 =	vperm.xlane v14, v3;
	_ =	swait.ge [sflag:s17], $0x6400;
	v8 =	vshll.u32 v18, $0x10;
	v15 =	vshll.u32 v13, $0x10  }
0x130: {  	[sflag:s17] =	ssyncset.done $0x0;
	v17 =	vperm.xlane v9, v0;
	v10 =	vadd.f32 v10, v11;
	v8 =	vmul.f32 v15, v8  }
0x131: {  	[sflag:s17] =	ssyncadd.s32 $0xFFFF9C00;
	v13 =	vand.u32 $0xFFFF0000, v13;
	v11 =	vadd.f32 v14, v16;
	v14 =	vand.u32 $0xFFFF0000, v18  }
0x132: {  	_ =	swait.ge [sflag:s18], $0x6400;
	v15 =	vadd.f32 v9, v17;
	v8 =	vadd.f32 v8, v10;
	v10 =	vmul.f32 v13, v14  }
0x133: {  	[sflag:s18] =	ssyncset.done $0x0;
	v7 =	vmul.f32 v11, v7;
	v11 =	vshll.u32 v19, $0x10;
	v13 =	vshll.u32 v21, $0x10  }
0x134: {  	s24 =	simm.s32 $0x0;
	[sflag:s18] =	ssyncadd.s32 $0xFFFF9C00;
	v14 =	vperm.xlane v15, v1;
	v8 =	vadd.f32 v8, v10;
	v10 =	vmul.f32 v13, v11  }
0x135: {  	v16 =	vand.u32 $0xFFFF0000, v21;
	v17 =	vld [tilespmem:s24+$0xB340];
	v11 =	vand.u32 $0xFFFF0000, v12;
	v13 =	vand.u32 $0xFFFF0000, v19  }
0x136: {  	v14 =	vadd.f32 v15, v14;
	v8 =	vadd.f32 v10, v8;
	v10 =	vmul.f32 v16, v13;
	v13 =	vld [tilespmem:s24+$0x17B40]  }
0x137: {  	v18 =	vld [tilespmem:s24+$0xB350];
	v12 =	vshll.u32 v12, $0x10;
	v15 =	vshll.u32 v20, $0x10;
	v16 =	vand.u32 $0xFFFF0000, v20  }
0x138: {  	v19 =	vperm.xlane v14, v2;
	v8 =	vadd.f32 v8, v10;
	v10 =	vmul.f32 v15, v12;
	v12 =	vld [tilespmem:s24+$0x17B50]  }
0x139: {  	v5 =	vadd.f32 v6, v5;
	v6 =	vadd.f32 v7, v4;
	v4 =	vmul.f32 v16, v11  }
0x13a: {  	v7 =	vadd.f32 v14, v19;
	v8 =	vadd.f32 v10, v8;
	v10 =	vshll.u32 v17, $0x10  }
0x13b: {  	v14 =	vand.u32 $0xFFFF0000, v17;
	v17 =	vld [tilespmem:s24+$0x17B60];
	v15 =	vshll.u32 v13, $0x10;
	v13 =	vand.u32 $0xFFFF0000, v13  }
0x13c: {  	v11 =	vld [tilespmem:s24+$0xB360];
	v16 =	vperm.xlane v7, v3;
	v10 =	vsub.f32 v10, v15;
	v13 =	vsub.f32 v14, v13  }
0x13d: {  	v4 =	vadd.f32 v8, v4;
	v8 =	vshll.u32 v18, $0x10;
	v14 =	vshll.u32 v12, $0x10  }
0x13e: {  	v12 =	vand.u32 $0xFFFF0000, v12;
	v10 =	vmul.f32 v10, v10;
	v13 =	vmul.f32 v13, v13  }
0x13f: {  	v23 =	vld [tilespmem:s24+$0xB310];
	v8 =	vsub.f32 v8, v14;
	v7 =	vadd.f32 v7, v16;
	v14 =	vand.u32 $0xFFFF0000, v18  }
0x140: {  	v15 =	vld [tilespmem:s24+$0xB370];
	v12 =	vsub.f32 v14, v12;
	v14 =	vshll.u32 v17, $0x10;
	v10 =	vadd.f32 v13, v10  }
0x141: {  	v8 =	vmul.f32 v8, v8;
	v13 =	vld [tilespmem:s24+$0x17B70];
	v7 =	vmul.f32 v7, v4;
	v4 =	vshll.u32 v11, $0x10  }
0x142: {  	v21 =	vld [tilespmem:s24+$0xB300];
	v14 =	vsub.f32 v4, v14;
	v4 =	vadd.f32 v9, v5;
	v5 =	vand.u32 $0xFFFF0000, v11  }
0x143: {  	v16 =	vld [tilespmem:s24+$0xB330];
	v9 =	vand.u32 $0xFFFF0000, v17;
	v8 =	vadd.f32 v8, v10;
	v10 =	vmul.f32 v12, v12  }
0x144: {  	v24 =	vshll.u32 v23, $0x10;
	v18 =	vld [tilespmem:s24+$0x17B30];
	v9 =	vsub.f32 v5, v9  }
0x145: {  	v17 =	vld [tilespmem:s24+$0xB320];
	v5 =	vadd.f32 v7, v6;
	v8 =	vadd.f32 v8, v10;
	v10 =	vmul.f32 v14, v14  }
0x146: {  	v22 =	vld [tilespmem:s24+$0x17B00];
	v6 =	vshll.u32 v15, $0x10;
	v9 =	vmul.f32 v9, v9;
	v7 =	vshll.u32 v13, $0x10  }
0x147: {  	v14 =	vshll.u32 v21, $0x10;
	v8 =	vadd.f32 v10, v8;
	v6 =	vsub.f32 v6, v7  }
0x148: {  	v26 =	vld [tilespmem:s24+$0x17B10];
	v11 =	vand.u32 $0xFFFF0000, v13;
	v7 =	vand.u32 $0xFFFF0000, v16;
	v10 =	vand.u32 $0xFFFF0000, v15  }
0x149: {  	v20 =	vld [tilespmem:s24+$0x17B20];
	v11 =	vsub.f32 v10, v11;
	v13 =	vadd.f32 v8, v9;
	v6 =	vmul.f32 v6, v6  }
0x14a: {  	v12 =	vand.u32 $0xFFFF0000, v17;
	v10 =	vand.u32 $0xFFFF0000, v18;
	v8 =	vshll.u32 v16, $0x10  }
0x14b: {  	s23 =	simm.s32 $0x80;
	v16 =	vshll.u32 v22, $0x10;
	v15 =	vmul.f32 v11, v11;
	v6 =	vadd.f32 v6, v13  }
0x14c: {  	v19 =	vld [tilespmem:s23+$0xB350];
	v9 =	vshll.u32 v18, $0x10;
	v18 =	vand.u32 $0xFFFF0000, v22;
	v16 =	vmul.f32 v16, v14  }
0x14d: {  	v11 =	vld [tilespmem:s23+$0xB360];
	v14 =	vshll.u32 v17, $0x10;
	v17 =	vand.u32 $0xFFFF0000, v21;
	v6 =	vadd.f32 v6, v15  }
0x14e: {  	v25 =	vshll.u32 v26, $0x10;
	v22 =	vld [tilespmem:s23+$0xB340];
	v13 =	vand.u32 $0xFFFF0000, v20;
	v17 =	vmul.f32 v18, v17  }
0x14f: {  	v15 =	vshll.u32 v20, $0x10;
	v20 =	vadd.f32 $0.0e+00, v16;
	v16 =	vld [tilespmem:s23+$0x17B50];
	v18 =	vperm.xlane v6, v0  }
0x150: {  	v24 =	vmul.f32 v25, v24  }
0x151: {  	v25 =	vld [tilespmem:s23+$0x17B40];
	v21 =	vand.u32 $0xFFFF0000, v23;
	v23 =	vadd.f32 v20, v17;
	v18 =	vadd.f32 v6, v18  }
0x152: {  	v26 =	vand.u32 $0xFFFF0000, v26;
	s24 =	simm.s32 $0x400;
	v20 =	vand.u32 $0xFFFF0000, v19;
	v17 =	vshll.u32 v11, $0x10  }
.LBB2_10:
0x153: {  	p0 =	sne.s32 s24, $0x18E00;
	v23 =	vadd.f32 v24, v23;
	v21 =	vmul.f32 v26, v21;
	v24 =	vperm.xlane v18, v1  }
0x154: {  	v19 =	vshll.u32 v19, $0x10;
	v27 =	vand.u32 $0xFFFF0000, v16;
	v26 =	vshll.u32 v22, $0x10  }
0x155: {  	v14 =	vmul.f32 v15, v14;
	v21 =	vadd.f32 v23, v21;
	v15 =	vadd.f32 v18, v24  }
0x156: {  	v18 =	vand.u32 $0xFFFF0000, v22;
	v22 =	vshll.u32 v25, $0x10;
	v23 =	vand.u32 $0xFFFF0000, v25  }
0x157: {  	v12 =	vmul.f32 v13, v12;
	v24 =	vld [tilespmem:s23+$0x17B60];
	v14 =	vadd.f32 v14, v21;
	v13 =	vperm.xlane v15, v2  }
0x158: {  	v7 =	vmul.f32 v10, v7;
	v21 =	vsub.f32 v26, v22;
	v18 =	vsub.f32 v18, v23  }
0x159: {  	v8 =	vmul.f32 v9, v8;
	v10 =	vadd.f32 v14, v12;
	v9 =	vadd.f32 v15, v13  }
0x15a: {  	v12 =	vmul.f32 v21, v21;
	v13 =	vmul.f32 v18, v18;
	v14 =	vshll.u32 v16, $0x10  }
0x15b: {  	v14 =	vsub.f32 v19, v14;
	v8 =	vadd.f32 v8, v10;
	v10 =	vperm.xlane v9, v3  }
0x15c: {  	v12 =	vadd.f32 v13, v12;
	v13 =	vsub.f32 v20, v27;
	v15 =	vshll.u32 v24, $0x10;
	v16 =	vld [tilespmem:s23+$0xB370]  }
0x15d: {  	v14 =	vmul.f32 v14, v14;
	v18 =	vld [tilespmem:s23+$0x17B70];
	v7 =	vadd.f32 v8, v7;
	v8 =	vadd.f32 v9, v10  }
0x15e: {  	v10 =	vand.u32 $0xFFFF0000, v11;
	v11 =	vand.u32 $0xFFFF0000, v24;
	v15 =	vsub.f32 v17, v15;
	v9 =	vld [tilespmem:s23+$0xB330]  }
0x15f: {  	v13 =	vmul.f32 v13, v13;
	v12 =	vadd.f32 v14, v12;
	v17 =	vld [tilespmem:s23+$0x17B30];
	v7 =	vmul.f32 v8, v7  }
0x160: {  	v4 =	vadd.f32 v6, v4;
	v8 =	vsub.f32 v10, v11;
	v14 =	vld [tilespmem:s23+$0xB320]  }
0x161: {  	v10 =	vmul.f32 v15, v15;
	v6 =	vadd.f32 v12, v13;
	v20 =	vld [tilespmem:s23+$0x17B20];
	v5 =	vadd.f32 v7, v5  }
0x162: {  	v7 =	vshll.u32 v16, $0x10;
	v15 =	vld [tilespmem:s23+$0xB300];
	v11 =	vshll.u32 v18, $0x10  }
0x163: {  	v8 =	vmul.f32 v8, v8;
	v6 =	vadd.f32 v10, v6;
	v21 =	vld [tilespmem:s23+$0x17B00];
	v10 =	vsub.f32 v7, v11  }
0x164: {  	v12 =	vand.u32 $0xFFFF0000, v18;
	v7 =	vand.u32 $0xFFFF0000, v9;
	v11 =	vand.u32 $0xFFFF0000, v16  }
0x165: {  	v6 =	vadd.f32 v6, v8;
	v11 =	vsub.f32 v11, v12;
	v13 =	vmul.f32 v10, v10  }
0x166: {  	v8 =	vshll.u32 v9, $0x10;
	v9 =	vshll.u32 v17, $0x10;
	v10 =	vand.u32 $0xFFFF0000, v17;
	v18 =	vld [tilespmem:s23+$0xB310]  }
0x167: {  	v12 =	vand.u32 $0xFFFF0000, v14;
	v16 =	vmul.f32 v11, v11;
	v26 =	vld [tilespmem:s23+$0x17B10];
	s23 =	sshra.s32 s24, $0x2;
	v6 =	vadd.f32 v13, v6  }
0x168: {  	v17 =	vshll.u32 v15, $0x10;
	v13 =	vand.u32 $0xFFFF0000, v20;
	v11 =	vld [tilespmem:s23+$0xB360];
	v22 =	vshll.u32 v21, $0x10  }
0x169: {  	v14 =	vshll.u32 v14, $0x10;
	v19 =	vld [tilespmem:s23+$0xB350];
	v17 =	vmul.f32 v22, v17;
	v6 =	vadd.f32 v6, v16  }
.Ltmp4:
0x16a: {  	v23 =	vand.u32 $0xFFFF0000, v15;
	v15 =	vshll.u32 v20, $0x10;
	v21 =	vand.u32 $0xFFFF0000, v21;
	v16 =	vld [tilespmem:s23+$0x17B50];
	(pc) =	sbr.rel @p0 .LBB2_10-.Ltmp4, $4  }
0x16b: {  	v20 =	vmul.f32 v21, v23;
	v22 =	vld [tilespmem:s23+$0xB340];
	v17 =	vadd.f32 $0.0e+00, v17;
	v27 =	vperm.xlane v6, v0  }
0x16c: {  	v24 =	vshll.u32 v18, $0x10;
	v21 =	vand.u32 $0xFFFF0000, v18;
	v18 =	vshll.u32 v26, $0x10  }
0x16d: {  	v25 =	vld [tilespmem:s23+$0x17B40];
	v23 =	vadd.f32 v17, v20;
	v24 =	vmul.f32 v18, v24;
	v18 =	vadd.f32 v6, v27  }
0x16e: {  	s24 =	sadd.s32 $0x200, s24;
	v26 =	vand.u32 $0xFFFF0000, v26;
	v17 =	vshll.u32 v11, $0x10;
	v20 =	vand.u32 $0xFFFF0000, v19  }
0x16f: {  	_ =	sdelay $0x1  }
0x170: {  	v27 =	vshll.u32 v22, $0x10  }
0x171: {  	v49 =	vand.u32 $0xFFFF0000, v22;
	v28 =	vshll.u32 v25, $0x10;
	v50 =	vand.u32 $0xFFFF0000, v25  }
0x172: {  	v51 =	vld [tilespmem:s23+$0x17B60];
	v27 =	vsub.f32 v27, v28;
	v22 =	vsub.f32 v49, v50  }
0x173: {  	v19 =	vshll.u32 v19, $0x10;
	v52 =	vshll.u32 v16, $0x10  }
0x174: {  	v19 =	vsub.f32 v19, v52;
	v27 =	vmul.f32 v27, v27;
	v22 =	vmul.f32 v22, v22  }
0x175: {  	v53 =	vand.u32 $0xFFFF0000, v16;
	v54 =	vld [tilespmem:s23+$0xB370];
	v23 =	vadd.f32 v24, v23  }
0x176: {  	v55 =	vld [tilespmem:s23+$0x17B70];
	v16 =	vsub.f32 v20, v53;
	v19 =	vmul.f32 v19, v19;
	v22 =	vadd.f32 v22, v27  }
0x177: {  	v21 =	vmul.f32 v26, v21;
	v57 =	vperm.xlane v18, v1;
	v56 =	vshll.u32 v51, $0x10  }
0x178: {  	v16 =	vmul.f32 v16, v16;
	v17 =	vsub.f32 v17, v56;
	v19 =	vadd.f32 v19, v22  }
0x179: {  	v11 =	vand.u32 $0xFFFF0000, v11;
	v14 =	vmul.f32 v15, v14;
	v58 =	vand.u32 $0xFFFF0000, v51  }
0x17a: {  	v11 =	vsub.f32 v11, v58;
	v17 =	vmul.f32 v17, v17;
	v16 =	vadd.f32 v19, v16  }
0x17b: {  	v60 =	vld [tilespmem:s23+$0xB300];
	v12 =	vmul.f32 v13, v12;
	v61 =	vshll.u32 v54, $0x10;
	v62 =	vshll.u32 v55, $0x10  }
0x17c: {  	v63 =	vld [tilespmem:s23+$0x17B00];
	v24 =	vsub.f32 v61, v62;
	v11 =	vmul.f32 v11, v11;
	v16 =	vadd.f32 v17, v16  }
0x17d: {  	v30 =	vld [tilespmem:s23+$0xB310];
	v59 =	vadd.f32 v23, v21;
	v20 =	vand.u32 $0xFFFF0000, v55;
	v27 =	vand.u32 $0xFFFF0000, v54  }
0x17e: {  	v31 =	vld [tilespmem:s23+$0x17B10];
	v28 =	vmul.f32 v24, v24;
	v15 =	vsub.f32 v27, v20;
	v11 =	vadd.f32 v16, v11  }
0x17f: {  	v7 =	vmul.f32 v10, v7;
	v8 =	vmul.f32 v9, v8;
	v29 =	vadd.f32 v18, v57  }
0x180: {  	v36 =	vld [tilespmem:s23+$0xB320];
	v14 =	vadd.f32 v14, v59;
	v15 =	vmul.f32 v15, v15;
	v11 =	vadd.f32 v28, v11  }
0x181: {  	v39 =	vld [tilespmem:s23+$0x17B20];
	v32 =	vperm.xlane v29, v2;
	v33 =	vshll.u32 v60, $0x10;
	v34 =	vshll.u32 v63, $0x10  }
0x182: {  	v45 =	vld [tilespmem:s23+$0x17B30];
	v37 =	vand.u32 $0xFFFF0000, v60;
	v35 =	vmul.f32 v34, v33;
	v11 =	vadd.f32 v11, v15  }
0x183: {  	v38 =	vand.u32 $0xFFFF0000, v63;
	v41 =	vshll.u32 v30, $0x10;
	v42 =	vshll.u32 v31, $0x10  }
0x184: {  	v44 =	vld [tilespmem:s23+$0xB330];
	v10 =	vadd.f32 $0.0e+00, v35;
	v15 =	vmul.f32 v38, v37;
	v40 =	vperm.xlane v11, v0  }
0x185: {  	v18 =	vand.u32 $0xFFFF0000, v30;
	v13 =	vand.u32 $0xFFFF0000, v31;
	v48 =	vshll.u32 v36, $0x10  }
0x186: {  	v9 =	vmul.f32 v42, v41;
	v10 =	vadd.f32 v10, v15;
	v43 =	vadd.f32 v11, v40  }
0x187: {  	v49 =	vshll.u32 v39, $0x10;
	v53 =	vand.u32 $0xFFFF0000, v39;
	v57 =	vshll.u32 v45, $0x10  }
0x188: {  	v46 =	vmul.f32 v13, v18;
	v9 =	vadd.f32 v9, v10;
	v47 =	vperm.xlane v43, v1  }
0x189: {  	v60 =	vand.u32 $0xFFFF0000, v44;
	v12 =	vadd.f32 v14, v12;
	v50 =	vmul.f32 v49, v48  }
0x18a: {  	v14 =	vand.u32 $0xFFFF0000, v36;
	v9 =	vadd.f32 v9, v46;
	v51 =	vadd.f32 v43, v47  }
0x18b: {  	v56 =	vshll.u32 v44, $0x10;
	v8 =	vadd.f32 v8, v12;
	v54 =	vmul.f32 v53, v14  }
0x18c: {  	v16 =	vadd.f32 v29, v32;
	v9 =	vadd.f32 v50, v9;
	v55 =	vperm.xlane v51, v2  }
0x18d: {  	v61 =	vand.u32 $0xFFFF0000, v45;
	v7 =	vadd.f32 v8, v7;
	v8 =	vmul.f32 v57, v56  }
0x18e: {  	v52 =	vperm.xlane v16, v3;
	v9 =	vadd.f32 v9, v54;
	v58 =	vadd.f32 v51, v55  }
0x18f: {  	v13 =	vmul.f32 v61, v60  }
0x190: {  	v59 =	vadd.f32 v16, v52;
	v8 =	vadd.f32 v8, v9;
	v62 =	vperm.xlane v58, v3;
	_ =	sdelay $0x1  }
0x191: {  	v7 =	vmul.f32 v59, v7;
	v8 =	vadd.f32 v8, v13;
	v9 =	vadd.f32 v58, v62;
	_ =	sdelay $0x1  }
0x192: {  	v4 =	vadd.f32 v6, v4;
	v5 =	vadd.f32 v7, v5;
	v63 =	vmul.f32 v9, v8;
	_ =	sdelay $0x1  }
0x193: {  	v4 =	vadd.f32 v11, v4;
	v5 =	vadd.f32 v63, v5;
	_ =	sdelay $0x1  }
0x194: {  	s22 =	sadd.s32 $0x1, s22;
	v4 =	vsub.f32 v4, v5  }
0x195: {  	p0 =	sne.s32 s22, s7  }
.Ltmp5:
0x196: {  	[tilespmem:$0x1DF00] =	vst v4;
	(pc) =	sbr.rel @p0 .LBB2_1-.Ltmp5, $4  }
0x197: {  	[hbm4b:s6+s3] =	stream.linear.scatter [tilespmem:s21], [sflag:$0x5], $0x80, $0x38;
	[tilespmem:$0x1DF80] =	vst v63  }
0x198: {  	_ =	swait.ge [sflag:s8], $0x80  }
0x199: {  	[sflag:s8] =	ssyncset.done $0x0  }
0x19a: {  	[sflag:s8] =	ssyncadd.s32 $0xFFFFFF80  }
0x19b: {  	_ =	sfence.sel $0x180000  }
0x19c: {  	[bflag:$0x0] =	sbarrier.arrive $0xFFFF  }
0x19d: {  	p0 =	sne.s32 s2, $0x0;
	_ =	strace $0x90000047  }
0x19e: {  	s0 =	sadd.s32 @!p0 $0x100000, s0;
	[bflag:$0x2] =	sbarrier.arrive $0xFFFF  }
0x19f: {  	[sflag:s0] =	ssyncadd.tile.s32 @!p0 $0x1;
	_ =	shalt  }
.Lfunc_end2:
_tile_overlayer_lowered:
.L_overlay_start_2:
0x1a0: {  	(tag) =	ssettag $0x2  }
0x1a1: {  	s0 =	rddreg [dreg:$0x0];
	s2 =	stileid.u32  }
0x1a2: {  	s1 =	rddreg [dreg:$0x1];
	p0 =	sne.s32 s2, $0x0  }
0x1a3: {  	s3 =	rddreg [dreg:$0x2];
	[bflag:$0x3] =	sbarrier.arrive $0xFFFF;
	s2 =	simm.s32 @!p0 $0x1C05  }
0x1a4: {  	[timem:s3], [sflag:s2] =	dma.local @!p0 [hbm:s0], s1  }
0x1a5: {  	s0 =	simm.s32 @!p0 $0x5  }
0x1a6: {  	_ =	swait.ge @!p0 [sflag:s0], s1  }
0x1a7: {  	s1 =	ssub.s32 @!p0 $0x0, s1;
	[sflag:s0] =	ssyncset.done @!p0 $0x0  }
0x1a8: {  	[sflag:s0] =	ssyncadd.s32 @!p0 s1  }
0x1a9: {  	[bflag:$0x3] =	sbarrier.arrive $0xFFFF  }
0x1aa: {  	_ =	shalt  }

</sc_bundles>
